<compile_context>
chip_gen: v7x
topology: tpu7x:2x2x1
jax: 0.10.2.dev20260603
libtpu: 0.0.44.dev20260713+nightly
codegen_flags: <defaults>
</compile_context>

<pallas_src>
import functools

import jax
import jax.numpy as jnp
from jax import lax
from jax.experimental import pallas as pl
from jax.experimental.pallas import tpu as pltpu
from jax.experimental.pallas import tpu_sc as plsc

K = 8
NB = 512
NLEV = 10
NW = 32
LANES = 16


NCH = 4
NB_CH = NB // NCH


def _pyramid_kernel(ctx_ref, t_ref, prev_ref):
    t = pl.program_id(1)
    neg = jnp.finfo(t_ref.dtype).min
    D = t_ref.shape[-1]

    @pl.when(t < NCH)
    def _bm():
        prev_ref[pl.ds(t * NB_CH, NB_CH), :] = jnp.max(ctx_ref[0], axis=1)

    @pl.when(t == NCH)
    def _lvl0():
        t_ref[0, 0] = prev_ref[...]

    for jj in range(1, NLEV):
        @pl.when(t == NCH + jj)
        def _lvl(sh=1 << (jj - 1)):
            prev = prev_ref[...]
            shifted = jnp.concatenate(
                [prev[sh:], jnp.full((sh, D), neg, prev.dtype)], axis=0)
            new = jnp.maximum(prev, shifted)
            t_ref[0, 0] = new
            prev_ref[...] = new


def _build_pyramid(context):
    B, S, D = context.shape
    ctx4 = context.reshape(B, NB, K, D)
    t = pl.pallas_call(
        _pyramid_kernel,
        grid=(B, NCH + NLEV),
        in_specs=[pl.BlockSpec(
            (1, NB_CH, K, D),
            lambda b, t: (b, jnp.minimum(t, NCH - 1), 0, 0))],
        out_specs=pl.BlockSpec(
            (1, 1, NB, D),
            lambda b, t: (b, jnp.clip(t - NCH, 0, NLEV - 1), 0, 0)),
        out_shape=jax.ShapeDtypeStruct((B, NLEV, NB, D), context.dtype),
        scratch_shapes=[pltpu.VMEM((NB, D), context.dtype)],
    )(ctx4)
    return t.reshape(B * NLEV * NB, D)


def _sc_span_kernel(nspans_w, S, D, ctx_hbm, t_hbm, s_hbm, e_hbm, out_hbm,
                    s_v, e_v, ctx_rows0, tbl_rows0, ctx_rows1, tbl_rows1,
                    tbl_idx0, tbl_idx1, pooled,
                    sem1, semc0, semt0, semc1, semt1):
    wid = lax.axis_index("s") * 2 + lax.axis_index("c")
    base_span = wid * nspans_w
    b = base_span // 256
    base_ctx = b * S
    base_t = b * (NLEV * NB)

    pltpu.async_copy(s_hbm.at[pl.ds(base_span, nspans_w)], s_v, sem1).wait()
    pltpu.async_copy(e_hbm.at[pl.ds(base_span, nspans_w)], e_v, sem1).wait()

    lane = lax.broadcasted_iota(jnp.int32, (LANES,), 0)
    nchunk = D // LANES

    def vfull(x):
        return jnp.full((LANES,), x, jnp.int32)

    bcast_dn = lax.GatherDimensionNumbers(
        offset_dims=(), collapsed_slice_dims=(0,), start_index_map=(0,))

    negf = jnp.full((LANES,), jnp.finfo(jnp.float32).min, jnp.float32)

    def compute_idx(sp):
        grp = pl.multiple_of((sp // LANES) * LANES, LANES)
        posv = vfull(sp - grp)
        s_chunk = s_v[pl.ds(grp, LANES)]
        e_chunk = e_v[pl.ds(grp, LANES)]
        sv = lax.gather(s_chunk, posv[:, None], bcast_dn, (1,),
                        mode=lax.GatherScatterMode.PROMISE_IN_BOUNDS)
        ev = lax.gather(e_chunk, posv[:, None], bcast_dn, (1,),
                        mode=lax.GatherScatterMode.PROMISE_IN_BOUNDS)

        one = vfull(1)
        zeroi = vfull(0)
        sbv = jnp.right_shift(sv + (K - 1), 3)
        ebv = jnp.right_shift(ev, 3)
        nbv = ebv - sbv
        hiv = jnp.where(nbv >= one, one, zeroi)

        jv = zeroi
        for kk in (2, 4, 8, 16, 32, 64, 128, 256, 512):
            jv = jv + jnp.where(nbv >= vfull(kk), one, zeroi)
        pjv = jnp.left_shift(one, jv)
        i1v = vfull(base_t) + (jv * NB + sbv) * hiv
        i2v = vfull(base_t) + (jv * NB + ebv - pjv) * hiv
        tidx = jnp.where(lane < one, i1v, i2v)

        n1v = jnp.minimum(ev, sbv * K) - sv
        r0v = jnp.maximum(sv, ebv * K)
        n2v = ev - r0v
        cidx = jnp.where(lane < n1v, sv + lane,
                         jnp.where(lane < n1v + n2v, r0v + lane - n1v, sv))
        cidx = cidx + vfull(base_ctx)

        int_f = hiv.astype(jnp.float32)
        nonemp_f = jnp.where(sv == ev, zeroi, one).astype(jnp.float32)
        return cidx, tidx, int_f, nonemp_f

    def reduce_span(sp, ctx_rows, tbl_rows, int_f, nonemp_f, nrows):
        def chunk_body(k, carry2):
            off = pl.multiple_of(k * LANES, LANES)
            m = [ctx_rows[r, pl.ds(off, LANES)] for r in range(nrows)]
            while len(m) > 1:
                m = [jnp.maximum(m[2 * i], m[2 * i + 1])
                     for i in range(len(m) // 2)]
            tacc = jnp.maximum(tbl_rows[0, pl.ds(off, LANES)],
                               tbl_rows[1, pl.ds(off, LANES)])
            tacc_eff = tacc * int_f + negf * (1.0 - int_f)
            val = jnp.maximum(m[0], tacc_eff) * nonemp_f
            pooled[sp, pl.ds(off, LANES)] = val
            return carry2

        lax.fori_loop(0, nchunk, chunk_body, 0, unroll=2)

    def pair_body(g, carry):
        sp0 = g * 2
        sp1 = sp0 + 1
        cidx0, tidx0, if0, nf0 = compute_idx(sp0)
        tbl_idx0[...] = tidx0
        c0 = pltpu.async_copy(ctx_hbm.at[cidx0], ctx_rows0, semc0)
        t0 = pltpu.async_copy(t_hbm.at[tbl_idx0.at[pl.ds(0, 2)]],
                              tbl_rows0, semt0)
        cidx1, tidx1, if1, nf1 = compute_idx(sp1)
        tbl_idx1[...] = tidx1
        c1 = pltpu.async_copy(ctx_hbm.at[cidx1], ctx_rows1, semc1)
        t1 = pltpu.async_copy(t_hbm.at[tbl_idx1.at[pl.ds(0, 2)]],
                              tbl_rows1, semt1)
        c0.wait()
        t0.wait()
        reduce_span(sp0, ctx_rows0, tbl_rows0, if0, nf0, LANES)
        c1.wait()
        t1.wait()
        reduce_span(sp1, ctx_rows1, tbl_rows1, if1, nf1, LANES)
        return carry

    lax.fori_loop(0, nspans_w // 2, pair_body, 0)
    pltpu.async_copy(pooled, out_hbm.at[pl.ds(base_span, nspans_w)],
                     sem1).wait()


def _sc_pool(ctxflat, tflat, s_arr, e_arr, S, D):
    n_spans = s_arr.shape[0]
    nspans_w = n_spans // NW
    mesh = plsc.VectorSubcoreMesh(core_axis_name="c", subcore_axis_name="s")
    sc_call = functools.partial(
        pl.kernel,
        out_type=jax.ShapeDtypeStruct((n_spans, D), ctxflat.dtype),
        mesh=mesh,
        scratch_types=[
            pltpu.VMEM((nspans_w,), jnp.int32),
            pltpu.VMEM((nspans_w,), jnp.int32),
            pltpu.VMEM((LANES, D), jnp.float32),
            pltpu.VMEM((2, D), jnp.float32),
            pltpu.VMEM((LANES, D), jnp.float32),
            pltpu.VMEM((2, D), jnp.float32),
            pltpu.VMEM((LANES,), jnp.int32),
            pltpu.VMEM((LANES,), jnp.int32),
            pltpu.VMEM((nspans_w, D), jnp.float32),
            pltpu.SemaphoreType.DMA,
            pltpu.SemaphoreType.DMA,
            pltpu.SemaphoreType.DMA,
            pltpu.SemaphoreType.DMA,
            pltpu.SemaphoreType.DMA,
        ],
    )(functools.partial(_sc_span_kernel, nspans_w, S, D))
    return sc_call(ctxflat, tflat, s_arr, e_arr)


def kernel(context, spans):
    B, S, D = context.shape
    NS = spans.shape[1]
    spans32 = spans.astype(jnp.int32)
    s_arr = spans32[:, :, 0].reshape(B * NS)
    e_arr = spans32[:, :, 1].reshape(B * NS)

    tflat = _build_pyramid(context)
    ctxflat = context.reshape(B * S, D)
    pooled = _sc_pool(ctxflat, tflat, s_arr, e_arr, S, D)

    res = jnp.zeros((B, S, D), dtype=context.dtype)
    return res.at[:, :NS, :].set(pooled.reshape(B, NS, D))

# --- scband reference (transcript-rebuilt; emitter-appended) ---
"""Pipeline reference for scband-max-pooling-word-1872605741239 (READ-ONLY COPY).

The authoritative reference and input builder live on the scoring server;
editing this copy changes nothing except your own understanding.
"""

import jax, jax.numpy as jnp
import numpy as np


def setup_inputs(seed: int = 0) -> dict:
    key = jax.random.key(seed)
    k1, k2 = jax.random.split(key)
    context = jax.random.normal(k1, (4, 4096, 1024), dtype=jnp.float32)
    spans = jnp.sort(jax.random.randint(k2, (4, 256, 2), 0, 4096), axis=-1).astype(jnp.int64)
    return {"context": context, "spans": spans}


def reference(context, spans):
    # Faithful translation of MaxPoolingWord.forward with dim=1, concat_CLS=False.
    # For each (batch, span): if span[0]==span[1] -> leave zeros; else max-pool
    # context[b, span[0]:span[1]] along the sequence axis and write into
    # res[b, span_index].  Single-element spans reduce to the element itself,
    # which equals the max over that one element.
    B, S, D = context.shape
    NS = spans.shape[1]
    neg = jnp.finfo(context.dtype).min
    pos = jnp.arange(S)

    def step(carry, span):  # span: [B, 2]
        start = span[:, 0][:, None]
        end = span[:, 1][:, None]
        mask = (pos[None, :] >= start) & (pos[None, :] < end)  # [B, S]
        masked = jnp.where(mask[:, :, None], context, neg)  # [B, S, D]
        pooled = jnp.max(masked, axis=1)  # [B, D]
        empty = (span[:, 0] == span[:, 1])[:, None]
        pooled = jnp.where(empty, jnp.zeros_like(pooled), pooled)
        return carry, pooled

    _, pooled_all = jax.lax.scan(step, None, jnp.transpose(spans, (1, 0, 2)))  # [NS, B, D]
    pooled_all = jnp.transpose(pooled_all, (1, 0, 2))  # [B, NS, D]
    res = jnp.zeros((B, S, D), dtype=context.dtype)
    res = res.at[:, :NS, :].set(pooled_all)
    return res

if __name__ == "__main__":
    import jax
    _d = setup_inputs()
    print(jax.jit(kernel)(*tuple(_d.values())))

</pallas_src>

<mosaic_0001>
#map = affine_map<(d0, d1) -> (0, 0)>
#map1 = affine_map<(d0, d1) -> (0)>
module attributes {stable_mosaic.version = 14 : i64} {
  func.func @_sc_span_kernel(%arg0: i32, %arg1: i32, %arg2: memref<16384x1024xf32, #tpu.memory_space<hbm>>, %arg3: memref<20480x1024xf32, #tpu.memory_space<hbm>>, %arg4: memref<1024xi32, #tpu.memory_space<hbm>>, %arg5: memref<1024xi32, #tpu.memory_space<hbm>>, %arg6: memref<1024x1024xf32, #tpu.memory_space<hbm>>, %arg7: memref<32xi32, #tpu.memory_space<vmem>>, %arg8: memref<32xi32, #tpu.memory_space<vmem>>, %arg9: memref<16x1024xf32, #tpu.memory_space<vmem>>, %arg10: memref<2x1024xf32, #tpu.memory_space<vmem>>, %arg11: memref<16x1024xf32, #tpu.memory_space<vmem>>, %arg12: memref<2x1024xf32, #tpu.memory_space<vmem>>, %arg13: memref<16xi32, #tpu.memory_space<vmem>>, %arg14: memref<16xi32, #tpu.memory_space<vmem>>, %arg15: memref<32x1024xf32, #tpu.memory_space<vmem>>, %arg16: memref<!tpu.dma_semaphore, #tpu.memory_space<semaphore_mem>>, %arg17: memref<!tpu.dma_semaphore, #tpu.memory_space<semaphore_mem>>, %arg18: memref<!tpu.dma_semaphore, #tpu.memory_space<semaphore_mem>>, %arg19: memref<!tpu.dma_semaphore, #tpu.memory_space<semaphore_mem>>, %arg20: memref<!tpu.dma_semaphore, #tpu.memory_space<semaphore_mem>>) attributes {dimension_semantics = [#tpu.dimension_semantics<core_parallel>, #tpu.dimension_semantics<subcore_parallel>], iteration_bounds = array<i64: 2, 16>, scalar_prefetch = 0 : i64, scratch_operands = 14 : i64, tpu.core_type = #tpu.core_type<sc_vector_subcore>, window_params = [{transform_indices = #map}, {transform_indices = #map}, {transform_indices = #map1}, {transform_indices = #map1}, {transform_indices = #map}]} {
    %mul3A = arith.constant 2 : i32
    %mul3A_0 = arith.muli %arg1, %mul3A : i32
    %add3A = arith.addi %mul3A_0, %arg0 : i32
    %mul3A_1 = arith.constant 32 : i32
    %mul3A_2 = arith.muli %add3A, %mul3A_1 : i32
    %jit3A = arith.constant 256 : i32
    %div3A = arith.divsi %mul3A_2, %jit3A : i32
    %sign3A = arith.constant 0 : i32
    %sign3A_3 = arith.cmpi sgt, %mul3A_2, %sign3A : i32
    %sign3A_4 = arith.extui %sign3A_3 : i1 to i32
    %sign3A_5 = arith.constant 0 : i32
    %sign3A_6 = arith.cmpi slt, %mul3A_2, %sign3A_5 : i32
    %sign3A_7 = arith.extui %sign3A_6 : i1 to i32
    %sign3A_8 = arith.subi %sign3A_4, %sign3A_7 : i32
    %sign3A_9 = arith.constant 0 : i32
    %sign3A_10 = arith.cmpi sgt, %jit3A, %sign3A_9 : i32
    %sign3A_11 = arith.extui %sign3A_10 : i1 to i32
    %sign3A_12 = arith.constant 0 : i32
    %sign3A_13 = arith.cmpi slt, %jit3A, %sign3A_12 : i32
    %sign3A_14 = arith.extui %sign3A_13 : i1 to i32
    %sign3A_15 = arith.subi %sign3A_11, %sign3A_14 : i32
    %ne3A = arith.cmpi ne, %sign3A_8, %sign3A_15 : i32
    %rem3A = arith.remsi %mul3A_2, %jit3A : i32
    %ne3A_16 = arith.constant 0 : i32
    %ne3A_17 = arith.cmpi ne, %rem3A, %ne3A_16 : i32
    %and3A = arith.andi %ne3A, %ne3A_17 : i1
    %sub3A = arith.constant 1 : i32
    %sub3A_18 = arith.subi %div3A, %sub3A : i32
    %select_n3A = arith.select %and3A, %sub3A_18, %div3A : i32
    %mul3A_19 = arith.constant 4096 : i32
    %mul3A_20 = arith.muli %select_n3A, %mul3A_19 : i32
    %mul3A_21 = arith.constant 5120 : i32
    %mul3A_22 = arith.muli %select_n3A, %mul3A_21 : i32
    %dma_start3A = tpu.memref_slice %arg4[%mul3A_2] : memref<1024xi32, #tpu.memory_space<hbm>> -> memref<32xi32, #tpu.memory_space<hbm>>
    %dma_start3A_23 = tpu.memref_slice %arg4[%mul3A_2] : memref<1024xi32, #tpu.memory_space<hbm>> -> memref<32xi32, #tpu.memory_space<hbm>>
    tpu.enqueue_dma source(%dma_start3A_23 : memref<32xi32, #tpu.memory_space<hbm>>) target(%arg7 : memref<32xi32, #tpu.memory_space<vmem>>) target_semaphore(%arg16 : memref<!tpu.dma_semaphore, #tpu.memory_space<semaphore_mem>>)
    %dma_wait3A = tpu.memref_slice %arg4[%mul3A_2] : memref<1024xi32, #tpu.memory_space<hbm>> -> memref<32xi32, #tpu.memory_space<hbm>>
    %dma_wait3A_24 = tpu.memref_slice %arg4[%mul3A_2] : memref<1024xi32, #tpu.memory_space<hbm>> -> memref<32xi32, #tpu.memory_space<hbm>>
    tpu.wait_dma2 semaphore(%arg16 : memref<!tpu.dma_semaphore, #tpu.memory_space<semaphore_mem>>) src(%dma_wait3A_24 : memref<32xi32, #tpu.memory_space<hbm>>) dst(%arg7 : memref<32xi32, #tpu.memory_space<vmem>>)
    %dma_start3A_25 = tpu.memref_slice %arg5[%mul3A_2] : memref<1024xi32, #tpu.memory_space<hbm>> -> memref<32xi32, #tpu.memory_space<hbm>>
    %dma_start3A_26 = tpu.memref_slice %arg5[%mul3A_2] : memref<1024xi32, #tpu.memory_space<hbm>> -> memref<32xi32, #tpu.memory_space<hbm>>
    tpu.enqueue_dma source(%dma_start3A_26 : memref<32xi32, #tpu.memory_space<hbm>>) target(%arg8 : memref<32xi32, #tpu.memory_space<vmem>>) target_semaphore(%arg16 : memref<!tpu.dma_semaphore, #tpu.memory_space<semaphore_mem>>)
    %dma_wait3A_27 = tpu.memref_slice %arg5[%mul3A_2] : memref<1024xi32, #tpu.memory_space<hbm>> -> memref<32xi32, #tpu.memory_space<hbm>>
    %dma_wait3A_28 = tpu.memref_slice %arg5[%mul3A_2] : memref<1024xi32, #tpu.memory_space<hbm>> -> memref<32xi32, #tpu.memory_space<hbm>>
    tpu.wait_dma2 semaphore(%arg16 : memref<!tpu.dma_semaphore, #tpu.memory_space<semaphore_mem>>) src(%dma_wait3A_28 : memref<32xi32, #tpu.memory_space<hbm>>) dst(%arg8 : memref<32xi32, #tpu.memory_space<vmem>>)
    %iota3A = tpu.iota {dimensions = array<i32: 0>} : vector<16xi32>
    %broadcast_in_dim3A = arith.constant -3.40282347E+38 : f32
    %broadcast_in_dim3A_29 = vector.broadcast %broadcast_in_dim3A : f32 to vector<16xf32>
    %scan3A = arith.constant 0 : i32
    %scan3A_30 = arith.constant 0 : i32
    %scan3A_31 = arith.constant 16 : i32
    %scan3A_32 = arith.addi %scan3A_30, %scan3A_31 : i32
    %scan3A_33 = arith.constant 1 : i32
    scf.for %scan3A_43 = %scan3A_30 to %scan3A_32 step %scan3A_33  : i32 {
      %mul3A_44 = arith.constant 2 : i32
      %mul3A_45 = arith.muli %scan3A_43, %mul3A_44 : i32
      %add3A_46 = arith.constant 1 : i32
      %add3A_47 = arith.addi %mul3A_45, %add3A_46 : i32
      %jit3A_48 = arith.constant 16 : i32
      %div3A_49 = arith.divsi %mul3A_45, %jit3A_48 : i32
      %sign3A_50 = arith.constant 0 : i32
      %sign3A_51 = arith.cmpi sgt, %mul3A_45, %sign3A_50 : i32
      %sign3A_52 = arith.extui %sign3A_51 : i1 to i32
      %sign3A_53 = arith.constant 0 : i32
      %sign3A_54 = arith.cmpi slt, %mul3A_45, %sign3A_53 : i32
      %sign3A_55 = arith.extui %sign3A_54 : i1 to i32
      %sign3A_56 = arith.subi %sign3A_52, %sign3A_55 : i32
      %sign3A_57 = arith.constant 0 : i32
      %sign3A_58 = arith.cmpi sgt, %jit3A_48, %sign3A_57 : i32
      %sign3A_59 = arith.extui %sign3A_58 : i1 to i32
      %sign3A_60 = arith.constant 0 : i32
      %sign3A_61 = arith.cmpi slt, %jit3A_48, %sign3A_60 : i32
      %sign3A_62 = arith.extui %sign3A_61 : i1 to i32
      %sign3A_63 = arith.subi %sign3A_59, %sign3A_62 : i32
      %ne3A_64 = arith.cmpi ne, %sign3A_56, %sign3A_63 : i32
      %rem3A_65 = arith.remsi %mul3A_45, %jit3A_48 : i32
      %ne3A_66 = arith.constant 0 : i32
      %ne3A_67 = arith.cmpi ne, %rem3A_65, %ne3A_66 : i32
      %and3A_68 = arith.andi %ne3A_64, %ne3A_67 : i1
      %sub3A_69 = arith.constant 1 : i32
      %sub3A_70 = arith.subi %div3A_49, %sub3A_69 : i32
      %select_n3A_71 = arith.select %and3A_68, %sub3A_70, %div3A_49 : i32
      %mul3A_72 = arith.constant 16 : i32
      %mul3A_73 = arith.muli %select_n3A_71, %mul3A_72 : i32
      %multiple_of3A = tpu.assume_multiple %mul3A_73, 16 : i32
      %sub3A_74 = arith.subi %mul3A_45, %multiple_of3A : i32
      %broadcast_in_dim3A_75 = vector.broadcast %sub3A_74 : i32 to vector<16xi32>
      %get3A = arith.index_cast %multiple_of3A : i32 to index
      %get3A_76 = tpu.vector_load %arg7[%get3A] {strides = array<i32>} : memref<32xi32, #tpu.memory_space<vmem>>, vector<16xi32>,
      %get3A_77 = vector.shape_cast %get3A_76 : vector<16xi32> to vector<16xi32>
      %get3A_78 = arith.index_cast %multiple_of3A : i32 to index
      %get3A_79 = tpu.vector_load %arg8[%get3A_78] {strides = array<i32>} : memref<32xi32, #tpu.memory_space<vmem>>, vector<16xi32>,
      %get3A_80 = vector.shape_cast %get3A_79 : vector<16xi32> to vector<16xi32>
      %broadcast_in_dim3A_81 = vector.shape_cast %broadcast_in_dim3A_75 : vector<16xi32> to vector<16x1xi32>
      %gather3A = vector.shape_cast %broadcast_in_dim3A_81 : vector<16x1xi32> to vector<16xi32>
      %gather3A_82 = tpu.dynamic_gather %get3A_77[%gather3A] in [0] : vector<16xi32>, vector<16xi32> -> vector<16xi32>
      %broadcast_in_dim3A_83 = vector.shape_cast %broadcast_in_dim3A_75 : vector<16xi32> to vector<16x1xi32>
      %gather3A_84 = vector.shape_cast %broadcast_in_dim3A_83 : vector<16x1xi32> to vector<16xi32>
      %gather3A_85 = tpu.dynamic_gather %get3A_80[%gather3A_84] in [0] : vector<16xi32>, vector<16xi32> -> vector<16xi32>
      %broadcast_in_dim3A_86 = arith.constant 1 : i32
      %broadcast_in_dim3A_87 = vector.broadcast %broadcast_in_dim3A_86 : i32 to vector<16xi32>
      %broadcast_in_dim3A_88 = arith.constant 0 : i32
      %broadcast_in_dim3A_89 = vector.broadcast %broadcast_in_dim3A_88 : i32 to vector<16xi32>
      %add3A_90 = arith.constant 7 : i32
      %add3A_91 = vector.broadcast %add3A_90 : i32 to vector<16xi32>
      %add3A_92 = arith.addi %gather3A_82, %add3A_91 : vector<16xi32>
      %shift_right_arithmetic3A = arith.constant 3 : i32
      %shift_right_arithmetic3A_93 = vector.broadcast %shift_right_arithmetic3A : i32 to vector<16xi32>
      %shift_right_arithmetic3A_94 = arith.shrsi %add3A_92, %shift_right_arithmetic3A_93 : vector<16xi32>
      %shift_right_arithmetic3A_95 = arith.constant 3 : i32
      %shift_right_arithmetic3A_96 = vector.broadcast %shift_right_arithmetic3A_95 : i32 to vector<16xi32>
      %shift_right_arithmetic3A_97 = arith.shrsi %gather3A_85, %shift_right_arithmetic3A_96 : vector<16xi32>
      %sub3A_98 = arith.subi %shift_right_arithmetic3A_97, %shift_right_arithmetic3A_94 : vector<16xi32>
      %ge3A = arith.cmpi sge, %sub3A_98, %broadcast_in_dim3A_87 : vector<16xi32>
      %select_n3A_99 = arith.select %ge3A, %broadcast_in_dim3A_87, %broadcast_in_dim3A_89 : vector<16xi1>, vector<16xi32>
      %broadcast_in_dim3A_100 = arith.constant 2 : i32
      %broadcast_in_dim3A_101 = vector.broadcast %broadcast_in_dim3A_100 : i32 to vector<16xi32>
      %ge3A_102 = arith.cmpi sge, %sub3A_98, %broadcast_in_dim3A_101 : vector<16xi32>
      %select_n3A_103 = arith.select %ge3A_102, %broadcast_in_dim3A_87, %broadcast_in_dim3A_89 : vector<16xi1>, vector<16xi32>
      %add3A_104 = arith.addi %broadcast_in_dim3A_89, %select_n3A_103 : vector<16xi32>
      %broadcast_in_dim3A_105 = arith.constant 4 : i32
      %broadcast_in_dim3A_106 = vector.broadcast %broadcast_in_dim3A_105 : i32 to vector<16xi32>
      %ge3A_107 = arith.cmpi sge, %sub3A_98, %broadcast_in_dim3A_106 : vector<16xi32>
      %select_n3A_108 = arith.select %ge3A_107, %broadcast_in_dim3A_87, %broadcast_in_dim3A_89 : vector<16xi1>, vector<16xi32>
      %add3A_109 = arith.addi %add3A_104, %select_n3A_108 : vector<16xi32>
      %broadcast_in_dim3A_110 = arith.constant 8 : i32
      %broadcast_in_dim3A_111 = vector.broadcast %broadcast_in_dim3A_110 : i32 to vector<16xi32>
      %ge3A_112 = arith.cmpi sge, %sub3A_98, %broadcast_in_dim3A_111 : vector<16xi32>
      %select_n3A_113 = arith.select %ge3A_112, %broadcast_in_dim3A_87, %broadcast_in_dim3A_89 : vector<16xi1>, vector<16xi32>
      %add3A_114 = arith.addi %add3A_109, %select_n3A_113 : vector<16xi32>
      %broadcast_in_dim3A_115 = arith.constant 16 : i32
      %broadcast_in_dim3A_116 = vector.broadcast %broadcast_in_dim3A_115 : i32 to vector<16xi32>
      %ge3A_117 = arith.cmpi sge, %sub3A_98, %broadcast_in_dim3A_116 : vector<16xi32>
      %select_n3A_118 = arith.select %ge3A_117, %broadcast_in_dim3A_87, %broadcast_in_dim3A_89 : vector<16xi1>, vector<16xi32>
      %add3A_119 = arith.addi %add3A_114, %select_n3A_118 : vector<16xi32>
      %broadcast_in_dim3A_120 = arith.constant 32 : i32
      %broadcast_in_dim3A_121 = vector.broadcast %broadcast_in_dim3A_120 : i32 to vector<16xi32>
      %ge3A_122 = arith.cmpi sge, %sub3A_98, %broadcast_in_dim3A_121 : vector<16xi32>
      %select_n3A_123 = arith.select %ge3A_122, %broadcast_in_dim3A_87, %broadcast_in_dim3A_89 : vector<16xi1>, vector<16xi32>
      %add3A_124 = arith.addi %add3A_119, %select_n3A_123 : vector<16xi32>
      %broadcast_in_dim3A_125 = arith.constant 64 : i32
      %broadcast_in_dim3A_126 = vector.broadcast %broadcast_in_dim3A_125 : i32 to vector<16xi32>
      %ge3A_127 = arith.cmpi sge, %sub3A_98, %broadcast_in_dim3A_126 : vector<16xi32>
      %select_n3A_128 = arith.select %ge3A_127, %broadcast_in_dim3A_87, %broadcast_in_dim3A_89 : vector<16xi1>, vector<16xi32>
      %add3A_129 = arith.addi %add3A_124, %select_n3A_128 : vector<16xi32>
      %broadcast_in_dim3A_130 = arith.constant 128 : i32
      %broadcast_in_dim3A_131 = vector.broadcast %broadcast_in_dim3A_130 : i32 to vector<16xi32>
      %ge3A_132 = arith.cmpi sge, %sub3A_98, %broadcast_in_dim3A_131 : vector<16xi32>
      %select_n3A_133 = arith.select %ge3A_132, %broadcast_in_dim3A_87, %broadcast_in_dim3A_89 : vector<16xi1>, vector<16xi32>
      %add3A_134 = arith.addi %add3A_129, %select_n3A_133 : vector<16xi32>
      %broadcast_in_dim3A_135 = arith.constant 256 : i32
      %broadcast_in_dim3A_136 = vector.broadcast %broadcast_in_dim3A_135 : i32 to vector<16xi32>
      %ge3A_137 = arith.cmpi sge, %sub3A_98, %broadcast_in_dim3A_136 : vector<16xi32>
      %select_n3A_138 = arith.select %ge3A_137, %broadcast_in_dim3A_87, %broadcast_in_dim3A_89 : vector<16xi1>, vector<16xi32>
      %add3A_139 = arith.addi %add3A_134, %select_n3A_138 : vector<16xi32>
      %broadcast_in_dim3A_140 = arith.constant 512 : i32
      %broadcast_in_dim3A_141 = vector.broadcast %broadcast_in_dim3A_140 : i32 to vector<16xi32>
      %ge3A_142 = arith.cmpi sge, %sub3A_98, %broadcast_in_dim3A_141 : vector<16xi32>
      %select_n3A_143 = arith.select %ge3A_142, %broadcast_in_dim3A_87, %broadcast_in_dim3A_89 : vector<16xi1>, vector<16xi32>
      %add3A_144 = arith.addi %add3A_139, %select_n3A_143 : vector<16xi32>
      %shift_left3A = arith.shli %broadcast_in_dim3A_87, %add3A_144 : vector<16xi32>
      %broadcast_in_dim3A_145 = vector.broadcast %mul3A_22 : i32 to vector<16xi32>
      %mul3A_146 = arith.constant 512 : i32
      %mul3A_147 = vector.broadcast %mul3A_146 : i32 to vector<16xi32>
      %mul3A_148 = arith.muli %add3A_144, %mul3A_147 : vector<16xi32>
      %add3A_149 = arith.addi %mul3A_148, %shift_right_arithmetic3A_94 : vector<16xi32>
      %mul3A_150 = arith.muli %add3A_149, %select_n3A_99 : vector<16xi32>
      %add3A_151 = arith.addi %broadcast_in_dim3A_145, %mul3A_150 : vector<16xi32>
      %broadcast_in_dim3A_152 = vector.broadcast %mul3A_22 : i32 to vector<16xi32>
      %mul3A_153 = arith.constant 512 : i32
      %mul3A_154 = vector.broadcast %mul3A_153 : i32 to vector<16xi32>
      %mul3A_155 = arith.muli %add3A_144, %mul3A_154 : vector<16xi32>
      %add3A_156 = arith.addi %mul3A_155, %shift_right_arithmetic3A_97 : vector<16xi32>
      %sub3A_157 = arith.subi %add3A_156, %shift_left3A : vector<16xi32>
      %mul3A_158 = arith.muli %sub3A_157, %select_n3A_99 : vector<16xi32>
      %add3A_159 = arith.addi %broadcast_in_dim3A_152, %mul3A_158 : vector<16xi32>
      %lt3A = arith.cmpi slt, %iota3A, %broadcast_in_dim3A_87 : vector<16xi32>
      %select_n3A_160 = arith.select %lt3A, %add3A_151, %add3A_159 : vector<16xi1>, vector<16xi32>
      %mul3A_161 = arith.constant 8 : i32
      %mul3A_162 = vector.broadcast %mul3A_161 : i32 to vector<16xi32>
      %mul3A_163 = arith.muli %shift_right_arithmetic3A_94, %mul3A_162 : vector<16xi32>
      %min3A = arith.minsi %gather3A_85, %mul3A_163 : vector<16xi32>
      %sub3A_164 = arith.subi %min3A, %gather3A_82 : vector<16xi32>
      %mul3A_165 = arith.constant 8 : i32
      %mul3A_166 = vector.broadcast %mul3A_165 : i32 to vector<16xi32>
      %mul3A_167 = arith.muli %shift_right_arithmetic3A_97, %mul3A_166 : vector<16xi32>
      %max3A = arith.maxsi %gather3A_82, %mul3A_167 : vector<16xi32>
      %sub3A_168 = arith.subi %gather3A_85, %max3A : vector<16xi32>
      %lt3A_169 = arith.cmpi slt, %iota3A, %sub3A_164 : vector<16xi32>
      %add3A_170 = arith.addi %gather3A_82, %iota3A : vector<16xi32>
      %add3A_171 = arith.addi %sub3A_164, %sub3A_168 : vector<16xi32>
      %lt3A_172 = arith.cmpi slt, %iota3A, %add3A_171 : vector<16xi32>
      %add3A_173 = arith.addi %max3A, %iota3A : vector<16xi32>
      %sub3A_174 = arith.subi %add3A_173, %sub3A_164 : vector<16xi32>
      %select_n3A_175 = arith.select %lt3A_172, %sub3A_174, %gather3A_82 : vector<16xi1>, vector<16xi32>
      %select_n3A_176 = arith.select %lt3A_169, %add3A_170, %select_n3A_175 : vector<16xi1>, vector<16xi32>
      %broadcast_in_dim3A_177 = vector.broadcast %mul3A_20 : i32 to vector<16xi32>
      %add3A_178 = arith.addi %select_n3A_176, %broadcast_in_dim3A_177 : vector<16xi32>
      %convert_element_type3A = arith.sitofp %select_n3A_99 : vector<16xi32> to vector<16xf32>
      %eq3A = arith.cmpi eq, %gather3A_82, %gather3A_85 : vector<16xi32>
      %select_n3A_179 = arith.select %eq3A, %broadcast_in_dim3A_89, %broadcast_in_dim3A_87 : vector<16xi1>, vector<16xi32>
      %convert_element_type3A_180 = arith.sitofp %select_n3A_179 : vector<16xi32> to vector<16xf32>
      %swap3A = arith.constant 0 : index
      %swap3A_181 = tpu.vector_load %arg13[%swap3A] {strides = array<i32>} : memref<16xi32, #tpu.memory_space<vmem>>, vector<16xi32>,
      %swap3A_182 = vector.shape_cast %swap3A_181 : vector<16xi32> to vector<16xi32>
      %swap3A_183 = vector.shape_cast %select_n3A_160 : vector<16xi32> to vector<16xi32>
      tpu.vector_store %arg13[%swap3A], %swap3A_183 {strides = array<i32>} : memref<16xi32, #tpu.memory_space<vmem>>, vector<16xi32>,
      %dma_start3A_184 = arith.constant 0 : i32
      %dma_start3A_185 = arith.constant 0 : i32
      %dma_start3A_186 = tpu.memref_slice %arg2[%dma_start3A_184, %dma_start3A_185] : memref<16384x1024xf32, #tpu.memory_space<hbm>> -> memref<16384x1024xf32, #tpu.memory_space<hbm>>
      tpu.enqueue_indirect_dma source(%dma_start3A_186 : memref<16384x1024xf32, #tpu.memory_space<hbm>>) target(%arg9 : memref<16x1024xf32, #tpu.memory_space<vmem>>) offsets(%add3A_178 : vector<16xi32>) semaphore(%arg17 : memref<!tpu.dma_semaphore, #tpu.memory_space<semaphore_mem>>)
      %dma_start3A_187 = arith.constant 0 : i32
      %dma_start3A_188 = tpu.memref_slice %arg13[%dma_start3A_187] : memref<16xi32, #tpu.memory_space<vmem>> -> memref<2xi32, #tpu.memory_space<vmem>>
      %dma_start3A_189 = arith.constant 0 : i32
      %dma_start3A_190 = arith.constant 0 : i32
      %dma_start3A_191 = tpu.memref_slice %arg3[%dma_start3A_189, %dma_start3A_190] : memref<20480x1024xf32, #tpu.memory_space<hbm>> -> memref<20480x1024xf32, #tpu.memory_space<hbm>>
      tpu.enqueue_indirect_dma source(%dma_start3A_191 : memref<20480x1024xf32, #tpu.memory_space<hbm>>) target(%arg10 : memref<2x1024xf32, #tpu.memory_space<vmem>>) offsets(%dma_start3A_188 : memref<2xi32, #tpu.memory_space<vmem>>) semaphore(%arg18 : memref<!tpu.dma_semaphore, #tpu.memory_space<semaphore_mem>>)
      %jit3A_192 = arith.constant 16 : i32
      %div3A_193 = arith.divsi %add3A_47, %jit3A_192 : i32
      %sign3A_194 = arith.constant 0 : i32
      %sign3A_195 = arith.cmpi sgt, %add3A_47, %sign3A_194 : i32
      %sign3A_196 = arith.extui %sign3A_195 : i1 to i32
      %sign3A_197 = arith.constant 0 : i32
      %sign3A_198 = arith.cmpi slt, %add3A_47, %sign3A_197 : i32
      %sign3A_199 = arith.extui %sign3A_198 : i1 to i32
      %sign3A_200 = arith.subi %sign3A_196, %sign3A_199 : i32
      %sign3A_201 = arith.constant 0 : i32
      %sign3A_202 = arith.cmpi sgt, %jit3A_192, %sign3A_201 : i32
      %sign3A_203 = arith.extui %sign3A_202 : i1 to i32
      %sign3A_204 = arith.constant 0 : i32
      %sign3A_205 = arith.cmpi slt, %jit3A_192, %sign3A_204 : i32
      %sign3A_206 = arith.extui %sign3A_205 : i1 to i32
      %sign3A_207 = arith.subi %sign3A_203, %sign3A_206 : i32
      %ne3A_208 = arith.cmpi ne, %sign3A_200, %sign3A_207 : i32
      %rem3A_209 = arith.remsi %add3A_47, %jit3A_192 : i32
      %ne3A_210 = arith.constant 0 : i32
      %ne3A_211 = arith.cmpi ne, %rem3A_209, %ne3A_210 : i32
      %and3A_212 = arith.andi %ne3A_208, %ne3A_211 : i1
      %sub3A_213 = arith.constant 1 : i32
      %sub3A_214 = arith.subi %div3A_193, %sub3A_213 : i32
      %select_n3A_215 = arith.select %and3A_212, %sub3A_214, %div3A_193 : i32
      %mul3A_216 = arith.constant 16 : i32
      %mul3A_217 = arith.muli %select_n3A_215, %mul3A_216 : i32
      %multiple_of3A_218 = tpu.assume_multiple %mul3A_217, 16 : i32
      %sub3A_219 = arith.subi %add3A_47, %multiple_of3A_218 : i32
      %broadcast_in_dim3A_220 = vector.broadcast %sub3A_219 : i32 to vector<16xi32>
      %get3A_221 = arith.index_cast %multiple_of3A_218 : i32 to index
      %get3A_222 = tpu.vector_load %arg7[%get3A_221] {strides = array<i32>} : memref<32xi32, #tpu.memory_space<vmem>>, vector<16xi32>,
      %get3A_223 = vector.shape_cast %get3A_222 : vector<16xi32> to vector<16xi32>
      %get3A_224 = arith.index_cast %multiple_of3A_218 : i32 to index
      %get3A_225 = tpu.vector_load %arg8[%get3A_224] {strides = array<i32>} : memref<32xi32, #tpu.memory_space<vmem>>, vector<16xi32>,
      %get3A_226 = vector.shape_cast %get3A_225 : vector<16xi32> to vector<16xi32>
      %broadcast_in_dim3A_227 = vector.shape_cast %broadcast_in_dim3A_220 : vector<16xi32> to vector<16x1xi32>
      %gather3A_228 = vector.shape_cast %broadcast_in_dim3A_227 : vector<16x1xi32> to vector<16xi32>
      %gather3A_229 = tpu.dynamic_gather %get3A_223[%gather3A_228] in [0] : vector<16xi32>, vector<16xi32> -> vector<16xi32>
      %broadcast_in_dim3A_230 = vector.shape_cast %broadcast_in_dim3A_220 : vector<16xi32> to vector<16x1xi32>
      %gather3A_231 = vector.shape_cast %broadcast_in_dim3A_230 : vector<16x1xi32> to vector<16xi32>
      %gather3A_232 = tpu.dynamic_gather %get3A_226[%gather3A_231] in [0] : vector<16xi32>, vector<16xi32> -> vector<16xi32>
      %broadcast_in_dim3A_233 = arith.constant 1 : i32
      %broadcast_in_dim3A_234 = vector.broadcast %broadcast_in_dim3A_233 : i32 to vector<16xi32>
      %broadcast_in_dim3A_235 = arith.constant 0 : i32
      %broadcast_in_dim3A_236 = vector.broadcast %broadcast_in_dim3A_235 : i32 to vector<16xi32>
      %add3A_237 = arith.constant 7 : i32
      %add3A_238 = vector.broadcast %add3A_237 : i32 to vector<16xi32>
      %add3A_239 = arith.addi %gather3A_229, %add3A_238 : vector<16xi32>
      %shift_right_arithmetic3A_240 = arith.constant 3 : i32
      %shift_right_arithmetic3A_241 = vector.broadcast %shift_right_arithmetic3A_240 : i32 to vector<16xi32>
      %shift_right_arithmetic3A_242 = arith.shrsi %add3A_239, %shift_right_arithmetic3A_241 : vector<16xi32>
      %shift_right_arithmetic3A_243 = arith.constant 3 : i32
      %shift_right_arithmetic3A_244 = vector.broadcast %shift_right_arithmetic3A_243 : i32 to vector<16xi32>
      %shift_right_arithmetic3A_245 = arith.shrsi %gather3A_232, %shift_right_arithmetic3A_244 : vector<16xi32>
      %sub3A_246 = arith.subi %shift_right_arithmetic3A_245, %shift_right_arithmetic3A_242 : vector<16xi32>
      %ge3A_247 = arith.cmpi sge, %sub3A_246, %broadcast_in_dim3A_234 : vector<16xi32>
      %select_n3A_248 = arith.select %ge3A_247, %broadcast_in_dim3A_234, %broadcast_in_dim3A_236 : vector<16xi1>, vector<16xi32>
      %broadcast_in_dim3A_249 = arith.constant 2 : i32
      %broadcast_in_dim3A_250 = vector.broadcast %broadcast_in_dim3A_249 : i32 to vector<16xi32>
      %ge3A_251 = arith.cmpi sge, %sub3A_246, %broadcast_in_dim3A_250 : vector<16xi32>
      %select_n3A_252 = arith.select %ge3A_251, %broadcast_in_dim3A_234, %broadcast_in_dim3A_236 : vector<16xi1>, vector<16xi32>
      %add3A_253 = arith.addi %broadcast_in_dim3A_236, %select_n3A_252 : vector<16xi32>
      %broadcast_in_dim3A_254 = arith.constant 4 : i32
      %broadcast_in_dim3A_255 = vector.broadcast %broadcast_in_dim3A_254 : i32 to vector<16xi32>
      %ge3A_256 = arith.cmpi sge, %sub3A_246, %broadcast_in_dim3A_255 : vector<16xi32>
      %select_n3A_257 = arith.select %ge3A_256, %broadcast_in_dim3A_234, %broadcast_in_dim3A_236 : vector<16xi1>, vector<16xi32>
      %add3A_258 = arith.addi %add3A_253, %select_n3A_257 : vector<16xi32>
      %broadcast_in_dim3A_259 = arith.constant 8 : i32
      %broadcast_in_dim3A_260 = vector.broadcast %broadcast_in_dim3A_259 : i32 to vector<16xi32>
      %ge3A_261 = arith.cmpi sge, %sub3A_246, %broadcast_in_dim3A_260 : vector<16xi32>
      %select_n3A_262 = arith.select %ge3A_261, %broadcast_in_dim3A_234, %broadcast_in_dim3A_236 : vector<16xi1>, vector<16xi32>
      %add3A_263 = arith.addi %add3A_258, %select_n3A_262 : vector<16xi32>
      %broadcast_in_dim3A_264 = arith.constant 16 : i32
      %broadcast_in_dim3A_265 = vector.broadcast %broadcast_in_dim3A_264 : i32 to vector<16xi32>
      %ge3A_266 = arith.cmpi sge, %sub3A_246, %broadcast_in_dim3A_265 : vector<16xi32>
      %select_n3A_267 = arith.select %ge3A_266, %broadcast_in_dim3A_234, %broadcast_in_dim3A_236 : vector<16xi1>, vector<16xi32>
      %add3A_268 = arith.addi %add3A_263, %select_n3A_267 : vector<16xi32>
      %broadcast_in_dim3A_269 = arith.constant 32 : i32
      %broadcast_in_dim3A_270 = vector.broadcast %broadcast_in_dim3A_269 : i32 to vector<16xi32>
      %ge3A_271 = arith.cmpi sge, %sub3A_246, %broadcast_in_dim3A_270 : vector<16xi32>
      %select_n3A_272 = arith.select %ge3A_271, %broadcast_in_dim3A_234, %broadcast_in_dim3A_236 : vector<16xi1>, vector<16xi32>
      %add3A_273 = arith.addi %add3A_268, %select_n3A_272 : vector<16xi32>
      %broadcast_in_dim3A_274 = arith.constant 64 : i32
      %broadcast_in_dim3A_275 = vector.broadcast %broadcast_in_dim3A_274 : i32 to vector<16xi32>
      %ge3A_276 = arith.cmpi sge, %sub3A_246, %broadcast_in_dim3A_275 : vector<16xi32>
      %select_n3A_277 = arith.select %ge3A_276, %broadcast_in_dim3A_234, %broadcast_in_dim3A_236 : vector<16xi1>, vector<16xi32>
      %add3A_278 = arith.addi %add3A_273, %select_n3A_277 : vector<16xi32>
      %broadcast_in_dim3A_279 = arith.constant 128 : i32
      %broadcast_in_dim3A_280 = vector.broadcast %broadcast_in_dim3A_279 : i32 to vector<16xi32>
      %ge3A_281 = arith.cmpi sge, %sub3A_246, %broadcast_in_dim3A_280 : vector<16xi32>
      %select_n3A_282 = arith.select %ge3A_281, %broadcast_in_dim3A_234, %broadcast_in_dim3A_236 : vector<16xi1>, vector<16xi32>
      %add3A_283 = arith.addi %add3A_278, %select_n3A_282 : vector<16xi32>
      %broadcast_in_dim3A_284 = arith.constant 256 : i32
      %broadcast_in_dim3A_285 = vector.broadcast %broadcast_in_dim3A_284 : i32 to vector<16xi32>
      %ge3A_286 = arith.cmpi sge, %sub3A_246, %broadcast_in_dim3A_285 : vector<16xi32>
      %select_n3A_287 = arith.select %ge3A_286, %broadcast_in_dim3A_234, %broadcast_in_dim3A_236 : vector<16xi1>, vector<16xi32>
      %add3A_288 = arith.addi %add3A_283, %select_n3A_287 : vector<16xi32>
      %broadcast_in_dim3A_289 = arith.constant 512 : i32
      %broadcast_in_dim3A_290 = vector.broadcast %broadcast_in_dim3A_289 : i32 to vector<16xi32>
      %ge3A_291 = arith.cmpi sge, %sub3A_246, %broadcast_in_dim3A_290 : vector<16xi32>
      %select_n3A_292 = arith.select %ge3A_291, %broadcast_in_dim3A_234, %broadcast_in_dim3A_236 : vector<16xi1>, vector<16xi32>
      %add3A_293 = arith.addi %add3A_288, %select_n3A_292 : vector<16xi32>
      %shift_left3A_294 = arith.shli %broadcast_in_dim3A_234, %add3A_293 : vector<16xi32>
      %broadcast_in_dim3A_295 = vector.broadcast %mul3A_22 : i32 to vector<16xi32>
      %mul3A_296 = arith.constant 512 : i32
      %mul3A_297 = vector.broadcast %mul3A_296 : i32 to vector<16xi32>
      %mul3A_298 = arith.muli %add3A_293, %mul3A_297 : vector<16xi32>
      %add3A_299 = arith.addi %mul3A_298, %shift_right_arithmetic3A_242 : vector<16xi32>
      %mul3A_300 = arith.muli %add3A_299, %select_n3A_248 : vector<16xi32>
      %add3A_301 = arith.addi %broadcast_in_dim3A_295, %mul3A_300 : vector<16xi32>
      %broadcast_in_dim3A_302 = vector.broadcast %mul3A_22 : i32 to vector<16xi32>
      %mul3A_303 = arith.constant 512 : i32
      %mul3A_304 = vector.broadcast %mul3A_303 : i32 to vector<16xi32>
      %mul3A_305 = arith.muli %add3A_293, %mul3A_304 : vector<16xi32>
      %add3A_306 = arith.addi %mul3A_305, %shift_right_arithmetic3A_245 : vector<16xi32>
      %sub3A_307 = arith.subi %add3A_306, %shift_left3A_294 : vector<16xi32>
      %mul3A_308 = arith.muli %sub3A_307, %select_n3A_248 : vector<16xi32>
      %add3A_309 = arith.addi %broadcast_in_dim3A_302, %mul3A_308 : vector<16xi32>
      %lt3A_310 = arith.cmpi slt, %iota3A, %broadcast_in_dim3A_234 : vector<16xi32>
      %select_n3A_311 = arith.select %lt3A_310, %add3A_301, %add3A_309 : vector<16xi1>, vector<16xi32>
      %mul3A_312 = arith.constant 8 : i32
      %mul3A_313 = vector.broadcast %mul3A_312 : i32 to vector<16xi32>
      %mul3A_314 = arith.muli %shift_right_arithmetic3A_242, %mul3A_313 : vector<16xi32>
      %min3A_315 = arith.minsi %gather3A_232, %mul3A_314 : vector<16xi32>
      %sub3A_316 = arith.subi %min3A_315, %gather3A_229 : vector<16xi32>
      %mul3A_317 = arith.constant 8 : i32
      %mul3A_318 = vector.broadcast %mul3A_317 : i32 to vector<16xi32>
      %mul3A_319 = arith.muli %shift_right_arithmetic3A_245, %mul3A_318 : vector<16xi32>
      %max3A_320 = arith.maxsi %gather3A_229, %mul3A_319 : vector<16xi32>
      %sub3A_321 = arith.subi %gather3A_232, %max3A_320 : vector<16xi32>
      %lt3A_322 = arith.cmpi slt, %iota3A, %sub3A_316 : vector<16xi32>
      %add3A_323 = arith.addi %gather3A_229, %iota3A : vector<16xi32>
      %add3A_324 = arith.addi %sub3A_316, %sub3A_321 : vector<16xi32>
      %lt3A_325 = arith.cmpi slt, %iota3A, %add3A_324 : vector<16xi32>
      %add3A_326 = arith.addi %max3A_320, %iota3A : vector<16xi32>
      %sub3A_327 = arith.subi %add3A_326, %sub3A_316 : vector<16xi32>
      %select_n3A_328 = arith.select %lt3A_325, %sub3A_327, %gather3A_229 : vector<16xi1>, vector<16xi32>
      %select_n3A_329 = arith.select %lt3A_322, %add3A_323, %select_n3A_328 : vector<16xi1>, vector<16xi32>
      %broadcast_in_dim3A_330 = vector.broadcast %mul3A_20 : i32 to vector<16xi32>
      %add3A_331 = arith.addi %select_n3A_329, %broadcast_in_dim3A_330 : vector<16xi32>
      %convert_element_type3A_332 = arith.sitofp %select_n3A_248 : vector<16xi32> to vector<16xf32>
      %eq3A_333 = arith.cmpi eq, %gather3A_229, %gather3A_232 : vector<16xi32>
      %select_n3A_334 = arith.select %eq3A_333, %broadcast_in_dim3A_236, %broadcast_in_dim3A_234 : vector<16xi1>, vector<16xi32>
      %convert_element_type3A_335 = arith.sitofp %select_n3A_334 : vector<16xi32> to vector<16xf32>
      %swap3A_336 = arith.constant 0 : index
      %swap3A_337 = tpu.vector_load %arg14[%swap3A_336] {strides = array<i32>} : memref<16xi32, #tpu.memory_space<vmem>>, vector<16xi32>,
      %swap3A_338 = vector.shape_cast %swap3A_337 : vector<16xi32> to vector<16xi32>
      %swap3A_339 = vector.shape_cast %select_n3A_311 : vector<16xi32> to vector<16xi32>
      tpu.vector_store %arg14[%swap3A_336], %swap3A_339 {strides = array<i32>} : memref<16xi32, #tpu.memory_space<vmem>>, vector<16xi32>,
      %dma_start3A_340 = arith.constant 0 : i32
      %dma_start3A_341 = arith.constant 0 : i32
      %dma_start3A_342 = tpu.memref_slice %arg2[%dma_start3A_340, %dma_start3A_341] : memref<16384x1024xf32, #tpu.memory_space<hbm>> -> memref<16384x1024xf32, #tpu.memory_space<hbm>>
      tpu.enqueue_indirect_dma source(%dma_start3A_342 : memref<16384x1024xf32, #tpu.memory_space<hbm>>) target(%arg11 : memref<16x1024xf32, #tpu.memory_space<vmem>>) offsets(%add3A_331 : vector<16xi32>) semaphore(%arg19 : memref<!tpu.dma_semaphore, #tpu.memory_space<semaphore_mem>>)
      %dma_start3A_343 = arith.constant 0 : i32
      %dma_start3A_344 = tpu.memref_slice %arg14[%dma_start3A_343] : memref<16xi32, #tpu.memory_space<vmem>> -> memref<2xi32, #tpu.memory_space<vmem>>
      %dma_start3A_345 = arith.constant 0 : i32
      %dma_start3A_346 = arith.constant 0 : i32
      %dma_start3A_347 = tpu.memref_slice %arg3[%dma_start3A_345, %dma_start3A_346] : memref<20480x1024xf32, #tpu.memory_space<hbm>> -> memref<20480x1024xf32, #tpu.memory_space<hbm>>
      tpu.enqueue_indirect_dma source(%dma_start3A_347 : memref<20480x1024xf32, #tpu.memory_space<hbm>>) target(%arg12 : memref<2x1024xf32, #tpu.memory_space<vmem>>) offsets(%dma_start3A_344 : memref<2xi32, #tpu.memory_space<vmem>>) semaphore(%arg20 : memref<!tpu.dma_semaphore, #tpu.memory_space<semaphore_mem>>)
      %dma_wait3A_348 = arith.constant 0 : i32
      %dma_wait3A_349 = arith.constant 0 : i32
      %dma_wait3A_350 = tpu.memref_slice %arg2[%dma_wait3A_348, %dma_wait3A_349] : memref<16384x1024xf32, #tpu.memory_space<hbm>> -> memref<16384x1024xf32, #tpu.memory_space<hbm>>
      tpu.wait_indirect_dma semaphore(%arg17 : memref<!tpu.dma_semaphore, #tpu.memory_space<semaphore_mem>>) src(%dma_wait3A_350 : memref<16384x1024xf32, #tpu.memory_space<hbm>>) dst(%arg9 : memref<16x1024xf32, #tpu.memory_space<vmem>>)
      %dma_wait3A_351 = arith.constant 0 : i32
      %dma_wait3A_352 = tpu.memref_slice %arg13[%dma_wait3A_351] : memref<16xi32, #tpu.memory_space<vmem>> -> memref<2xi32, #tpu.memory_space<vmem>>
      %dma_wait3A_353 = arith.constant 0 : i32
      %dma_wait3A_354 = arith.constant 0 : i32
      %dma_wait3A_355 = tpu.memref_slice %arg3[%dma_wait3A_353, %dma_wait3A_354] : memref<20480x1024xf32, #tpu.memory_space<hbm>> -> memref<20480x1024xf32, #tpu.memory_space<hbm>>
      tpu.wait_indirect_dma semaphore(%arg18 : memref<!tpu.dma_semaphore, #tpu.memory_space<semaphore_mem>>) src(%dma_wait3A_355 : memref<20480x1024xf32, #tpu.memory_space<hbm>>) dst(%arg10 : memref<2x1024xf32, #tpu.memory_space<vmem>>)
      %scan3A_356 = arith.constant 0 : i32
      %scan3A_357 = arith.constant 0 : i32
      %scan3A_358 = arith.constant 64 : i32
      %scan3A_359 = arith.addi %scan3A_357, %scan3A_358 : i32
      %scan3A_360 = arith.constant 2 : i32
      scf.for %scan3A_376 = %scan3A_357 to %scan3A_359 step %scan3A_360  : i32 {
        %mul3A_377 = arith.constant 16 : i32
        %mul3A_378 = arith.muli %scan3A_376, %mul3A_377 : i32
        %multiple_of3A_379 = tpu.assume_multiple %mul3A_378, 16 : i32
        %get3A_380 = arith.constant 0 : i32
        %get3A_381 = arith.index_cast %get3A_380 : i32 to index
        %get3A_382 = arith.index_cast %multiple_of3A_379 : i32 to index
        %get3A_383 = tpu.vector_load %arg9[%get3A_381, %get3A_382] {strides = array<i32>} : memref<16x1024xf32, #tpu.memory_space<vmem>>, vector<1x16xf32>,
        %get3A_384 = vector.shape_cast %get3A_383 : vector<1x16xf32> to vector<16xf32>
        %get3A_385 = arith.constant 1 : i32
        %get3A_386 = arith.index_cast %get3A_385 : i32 to index
        %get3A_387 = arith.index_cast %multiple_of3A_379 : i32 to index
        %get3A_388 = tpu.vector_load %arg9[%get3A_386, %get3A_387] {strides = array<i32>} : memref<16x1024xf32, #tpu.memory_space<vmem>>, vector<1x16xf32>,
        %get3A_389 = vector.shape_cast %get3A_388 : vector<1x16xf32> to vector<16xf32>
        %get3A_390 = arith.constant 2 : i32
        %get3A_391 = arith.index_cast %get3A_390 : i32 to index
        %get3A_392 = arith.index_cast %multiple_of3A_379 : i32 to index
        %get3A_393 = tpu.vector_load %arg9[%get3A_391, %get3A_392] {strides = array<i32>} : memref<16x1024xf32, #tpu.memory_space<vmem>>, vector<1x16xf32>,
        %get3A_394 = vector.shape_cast %get3A_393 : vector<1x16xf32> to vector<16xf32>
        %get3A_395 = arith.constant 3 : i32
        %get3A_396 = arith.index_cast %get3A_395 : i32 to index
        %get3A_397 = arith.index_cast %multiple_of3A_379 : i32 to index
        %get3A_398 = tpu.vector_load %arg9[%get3A_396, %get3A_397] {strides = array<i32>} : memref<16x1024xf32, #tpu.memory_space<vmem>>, vector<1x16xf32>,
        %get3A_399 = vector.shape_cast %get3A_398 : vector<1x16xf32> to vector<16xf32>
        %get3A_400 = arith.constant 4 : i32
        %get3A_401 = arith.index_cast %get3A_400 : i32 to index
        %get3A_402 = arith.index_cast %multiple_of3A_379 : i32 to index
        %get3A_403 = tpu.vector_load %arg9[%get3A_401, %get3A_402] {strides = array<i32>} : memref<16x1024xf32, #tpu.memory_space<vmem>>, vector<1x16xf32>,
        %get3A_404 = vector.shape_cast %get3A_403 : vector<1x16xf32> to vector<16xf32>
        %get3A_405 = arith.constant 5 : i32
        %get3A_406 = arith.index_cast %get3A_405 : i32 to index
        %get3A_407 = arith.index_cast %multiple_of3A_379 : i32 to index
        %get3A_408 = tpu.vector_load %arg9[%get3A_406, %get3A_407] {strides = array<i32>} : memref<16x1024xf32, #tpu.memory_space<vmem>>, vector<1x16xf32>,
        %get3A_409 = vector.shape_cast %get3A_408 : vector<1x16xf32> to vector<16xf32>
        %get3A_410 = arith.constant 6 : i32
        %get3A_411 = arith.index_cast %get3A_410 : i32 to index
        %get3A_412 = arith.index_cast %multiple_of3A_379 : i32 to index
        %get3A_413 = tpu.vector_load %arg9[%get3A_411, %get3A_412] {strides = array<i32>} : memref<16x1024xf32, #tpu.memory_space<vmem>>, vector<1x16xf32>,
        %get3A_414 = vector.shape_cast %get3A_413 : vector<1x16xf32> to vector<16xf32>
        %get3A_415 = arith.constant 7 : i32
        %get3A_416 = arith.index_cast %get3A_415 : i32 to index
        %get3A_417 = arith.index_cast %multiple_of3A_379 : i32 to index
        %get3A_418 = tpu.vector_load %arg9[%get3A_416, %get3A_417] {strides = array<i32>} : memref<16x1024xf32, #tpu.memory_space<vmem>>, vector<1x16xf32>,
        %get3A_419 = vector.shape_cast %get3A_418 : vector<1x16xf32> to vector<16xf32>
        %get3A_420 = arith.constant 8 : i32
        %get3A_421 = arith.index_cast %get3A_420 : i32 to index
        %get3A_422 = arith.index_cast %multiple_of3A_379 : i32 to index
        %get3A_423 = tpu.vector_load %arg9[%get3A_421, %get3A_422] {strides = array<i32>} : memref<16x1024xf32, #tpu.memory_space<vmem>>, vector<1x16xf32>,
        %get3A_424 = vector.shape_cast %get3A_423 : vector<1x16xf32> to vector<16xf32>
        %get3A_425 = arith.constant 9 : i32
        %get3A_426 = arith.index_cast %get3A_425 : i32 to index
        %get3A_427 = arith.index_cast %multiple_of3A_379 : i32 to index
        %get3A_428 = tpu.vector_load %arg9[%get3A_426, %get3A_427] {strides = array<i32>} : memref<16x1024xf32, #tpu.memory_space<vmem>>, vector<1x16xf32>,
        %get3A_429 = vector.shape_cast %get3A_428 : vector<1x16xf32> to vector<16xf32>
        %get3A_430 = arith.constant 10 : i32
        %get3A_431 = arith.index_cast %get3A_430 : i32 to index
        %get3A_432 = arith.index_cast %multiple_of3A_379 : i32 to index
        %get3A_433 = tpu.vector_load %arg9[%get3A_431, %get3A_432] {strides = array<i32>} : memref<16x1024xf32, #tpu.memory_space<vmem>>, vector<1x16xf32>,
        %get3A_434 = vector.shape_cast %get3A_433 : vector<1x16xf32> to vector<16xf32>
        %get3A_435 = arith.constant 11 : i32
        %get3A_436 = arith.index_cast %get3A_435 : i32 to index
        %get3A_437 = arith.index_cast %multiple_of3A_379 : i32 to index
        %get3A_438 = tpu.vector_load %arg9[%get3A_436, %get3A_437] {strides = array<i32>} : memref<16x1024xf32, #tpu.memory_space<vmem>>, vector<1x16xf32>,
        %get3A_439 = vector.shape_cast %get3A_438 : vector<1x16xf32> to vector<16xf32>
        %get3A_440 = arith.constant 12 : i32
        %get3A_441 = arith.index_cast %get3A_440 : i32 to index
        %get3A_442 = arith.index_cast %multiple_of3A_379 : i32 to index
        %get3A_443 = tpu.vector_load %arg9[%get3A_441, %get3A_442] {strides = array<i32>} : memref<16x1024xf32, #tpu.memory_space<vmem>>, vector<1x16xf32>,
        %get3A_444 = vector.shape_cast %get3A_443 : vector<1x16xf32> to vector<16xf32>
        %get3A_445 = arith.constant 13 : i32
        %get3A_446 = arith.index_cast %get3A_445 : i32 to index
        %get3A_447 = arith.index_cast %multiple_of3A_379 : i32 to index
        %get3A_448 = tpu.vector_load %arg9[%get3A_446, %get3A_447] {strides = array<i32>} : memref<16x1024xf32, #tpu.memory_space<vmem>>, vector<1x16xf32>,
        %get3A_449 = vector.shape_cast %get3A_448 : vector<1x16xf32> to vector<16xf32>
        %get3A_450 = arith.constant 14 : i32
        %get3A_451 = arith.index_cast %get3A_450 : i32 to index
        %get3A_452 = arith.index_cast %multiple_of3A_379 : i32 to index
        %get3A_453 = tpu.vector_load %arg9[%get3A_451, %get3A_452] {strides = array<i32>} : memref<16x1024xf32, #tpu.memory_space<vmem>>, vector<1x16xf32>,
        %get3A_454 = vector.shape_cast %get3A_453 : vector<1x16xf32> to vector<16xf32>
        %get3A_455 = arith.constant 15 : i32
        %get3A_456 = arith.index_cast %get3A_455 : i32 to index
        %get3A_457 = arith.index_cast %multiple_of3A_379 : i32 to index
        %get3A_458 = tpu.vector_load %arg9[%get3A_456, %get3A_457] {strides = array<i32>} : memref<16x1024xf32, #tpu.memory_space<vmem>>, vector<1x16xf32>,
        %get3A_459 = vector.shape_cast %get3A_458 : vector<1x16xf32> to vector<16xf32>
        %max3A_460 = arith.maximumf %get3A_384, %get3A_389 : vector<16xf32>
        %max3A_461 = arith.maximumf %get3A_394, %get3A_399 : vector<16xf32>
        %max3A_462 = arith.maximumf %get3A_404, %get3A_409 : vector<16xf32>
        %max3A_463 = arith.maximumf %get3A_414, %get3A_419 : vector<16xf32>
        %max3A_464 = arith.maximumf %get3A_424, %get3A_429 : vector<16xf32>
        %max3A_465 = arith.maximumf %get3A_434, %get3A_439 : vector<16xf32>
        %max3A_466 = arith.maximumf %get3A_444, %get3A_449 : vector<16xf32>
        %max3A_467 = arith.maximumf %get3A_454, %get3A_459 : vector<16xf32>
        %max3A_468 = arith.maximumf %max3A_460, %max3A_461 : vector<16xf32>
        %max3A_469 = arith.maximumf %max3A_462, %max3A_463 : vector<16xf32>
        %max3A_470 = arith.maximumf %max3A_464, %max3A_465 : vector<16xf32>
        %max3A_471 = arith.maximumf %max3A_466, %max3A_467 : vector<16xf32>
        %max3A_472 = arith.maximumf %max3A_468, %max3A_469 : vector<16xf32>
        %max3A_473 = arith.maximumf %max3A_470, %max3A_471 : vector<16xf32>
        %max3A_474 = arith.maximumf %max3A_472, %max3A_473 : vector<16xf32>
        %get3A_475 = arith.constant 0 : i32
        %get3A_476 = arith.index_cast %get3A_475 : i32 to index
        %get3A_477 = arith.index_cast %multiple_of3A_379 : i32 to index
        %get3A_478 = tpu.vector_load %arg10[%get3A_476, %get3A_477] {strides = array<i32>} : memref<2x1024xf32, #tpu.memory_space<vmem>>, vector<1x16xf32>,
        %get3A_479 = vector.shape_cast %get3A_478 : vector<1x16xf32> to vector<16xf32>
        %get3A_480 = arith.constant 1 : i32
        %get3A_481 = arith.index_cast %get3A_480 : i32 to index
        %get3A_482 = arith.index_cast %multiple_of3A_379 : i32 to index
        %get3A_483 = tpu.vector_load %arg10[%get3A_481, %get3A_482] {strides = array<i32>} : memref<2x1024xf32, #tpu.memory_space<vmem>>, vector<1x16xf32>,
        %get3A_484 = vector.shape_cast %get3A_483 : vector<1x16xf32> to vector<16xf32>
        %max3A_485 = arith.maximumf %get3A_479, %get3A_484 : vector<16xf32>
        %mul3A_486 = arith.mulf %max3A_485, %convert_element_type3A : vector<16xf32>
        %sub3A_487 = arith.constant 1.000000e+00 : f32
        %sub3A_488 = vector.broadcast %sub3A_487 : f32 to vector<16xf32>
        %sub3A_489 = arith.subf %sub3A_488, %convert_element_type3A : vector<16xf32>
        %mul3A_490 = arith.mulf %broadcast_in_dim3A_29, %sub3A_489 : vector<16xf32>
        %add3A_491 = arith.addf %mul3A_486, %mul3A_490 : vector<16xf32>
        %max3A_492 = arith.maximumf %max3A_474, %add3A_491 : vector<16xf32>
        %mul3A_493 = arith.mulf %max3A_492, %convert_element_type3A_180 : vector<16xf32>
        %swap3A_494 = arith.index_cast %mul3A_45 : i32 to index
        %swap3A_495 = arith.index_cast %multiple_of3A_379 : i32 to index
        %swap3A_496 = tpu.vector_load %arg15[%swap3A_494, %swap3A_495] {strides = array<i32>} : memref<32x1024xf32, #tpu.memory_space<vmem>>, vector<1x16xf32>,
        %swap3A_497 = vector.shape_cast %swap3A_496 : vector<1x16xf32> to vector<16xf32>
        %swap3A_498 = vector.shape_cast %mul3A_493 : vector<16xf32> to vector<1x16xf32>
        tpu.vector_store %arg15[%swap3A_494, %swap3A_495], %swap3A_498 {strides = array<i32>} : memref<32x1024xf32, #tpu.memory_space<vmem>>, vector<1x16xf32>,
        %scan3A_499 = arith.constant 1 : i32
        %scan3A_500 = arith.addi %scan3A_376, %scan3A_499 : i32
        %mul3A_501 = arith.constant 16 : i32
        %mul3A_502 = arith.muli %scan3A_500, %mul3A_501 : i32
        %multiple_of3A_503 = tpu.assume_multiple %mul3A_502, 16 : i32
        %get3A_504 = arith.constant 0 : i32
        %get3A_505 = arith.index_cast %get3A_504 : i32 to index
        %get3A_506 = arith.index_cast %multiple_of3A_503 : i32 to index
        %get3A_507 = tpu.vector_load %arg9[%get3A_505, %get3A_506] {strides = array<i32>} : memref<16x1024xf32, #tpu.memory_space<vmem>>, vector<1x16xf32>,
        %get3A_508 = vector.shape_cast %get3A_507 : vector<1x16xf32> to vector<16xf32>
        %get3A_509 = arith.constant 1 : i32
        %get3A_510 = arith.index_cast %get3A_509 : i32 to index
        %get3A_511 = arith.index_cast %multiple_of3A_503 : i32 to index
        %get3A_512 = tpu.vector_load %arg9[%get3A_510, %get3A_511] {strides = array<i32>} : memref<16x1024xf32, #tpu.memory_space<vmem>>, vector<1x16xf32>,
        %get3A_513 = vector.shape_cast %get3A_512 : vector<1x16xf32> to vector<16xf32>
        %get3A_514 = arith.constant 2 : i32
        %get3A_515 = arith.index_cast %get3A_514 : i32 to index
        %get3A_516 = arith.index_cast %multiple_of3A_503 : i32 to index
        %get3A_517 = tpu.vector_load %arg9[%get3A_515, %get3A_516] {strides = array<i32>} : memref<16x1024xf32, #tpu.memory_space<vmem>>, vector<1x16xf32>,
        %get3A_518 = vector.shape_cast %get3A_517 : vector<1x16xf32> to vector<16xf32>
        %get3A_519 = arith.constant 3 : i32
        %get3A_520 = arith.index_cast %get3A_519 : i32 to index
        %get3A_521 = arith.index_cast %multiple_of3A_503 : i32 to index
        %get3A_522 = tpu.vector_load %arg9[%get3A_520, %get3A_521] {strides = array<i32>} : memref<16x1024xf32, #tpu.memory_space<vmem>>, vector<1x16xf32>,
        %get3A_523 = vector.shape_cast %get3A_522 : vector<1x16xf32> to vector<16xf32>
        %get3A_524 = arith.constant 4 : i32
        %get3A_525 = arith.index_cast %get3A_524 : i32 to index
        %get3A_526 = arith.index_cast %multiple_of3A_503 : i32 to index
        %get3A_527 = tpu.vector_load %arg9[%get3A_525, %get3A_526] {strides = array<i32>} : memref<16x1024xf32, #tpu.memory_space<vmem>>, vector<1x16xf32>,
        %get3A_528 = vector.shape_cast %get3A_527 : vector<1x16xf32> to vector<16xf32>
        %get3A_529 = arith.constant 5 : i32
        %get3A_530 = arith.index_cast %get3A_529 : i32 to index
        %get3A_531 = arith.index_cast %multiple_of3A_503 : i32 to index
        %get3A_532 = tpu.vector_load %arg9[%get3A_530, %get3A_531] {strides = array<i32>} : memref<16x1024xf32, #tpu.memory_space<vmem>>, vector<1x16xf32>,
        %get3A_533 = vector.shape_cast %get3A_532 : vector<1x16xf32> to vector<16xf32>
        %get3A_534 = arith.constant 6 : i32
        %get3A_535 = arith.index_cast %get3A_534 : i32 to index
        %get3A_536 = arith.index_cast %multiple_of3A_503 : i32 to index
        %get3A_537 = tpu.vector_load %arg9[%get3A_535, %get3A_536] {strides = array<i32>} : memref<16x1024xf32, #tpu.memory_space<vmem>>, vector<1x16xf32>,
        %get3A_538 = vector.shape_cast %get3A_537 : vector<1x16xf32> to vector<16xf32>
        %get3A_539 = arith.constant 7 : i32
        %get3A_540 = arith.index_cast %get3A_539 : i32 to index
        %get3A_541 = arith.index_cast %multiple_of3A_503 : i32 to index
        %get3A_542 = tpu.vector_load %arg9[%get3A_540, %get3A_541] {strides = array<i32>} : memref<16x1024xf32, #tpu.memory_space<vmem>>, vector<1x16xf32>,
        %get3A_543 = vector.shape_cast %get3A_542 : vector<1x16xf32> to vector<16xf32>
        %get3A_544 = arith.constant 8 : i32
        %get3A_545 = arith.index_cast %get3A_544 : i32 to index
        %get3A_546 = arith.index_cast %multiple_of3A_503 : i32 to index
        %get3A_547 = tpu.vector_load %arg9[%get3A_545, %get3A_546] {strides = array<i32>} : memref<16x1024xf32, #tpu.memory_space<vmem>>, vector<1x16xf32>,
        %get3A_548 = vector.shape_cast %get3A_547 : vector<1x16xf32> to vector<16xf32>
        %get3A_549 = arith.constant 9 : i32
        %get3A_550 = arith.index_cast %get3A_549 : i32 to index
        %get3A_551 = arith.index_cast %multiple_of3A_503 : i32 to index
        %get3A_552 = tpu.vector_load %arg9[%get3A_550, %get3A_551] {strides = array<i32>} : memref<16x1024xf32, #tpu.memory_space<vmem>>, vector<1x16xf32>,
        %get3A_553 = vector.shape_cast %get3A_552 : vector<1x16xf32> to vector<16xf32>
        %get3A_554 = arith.constant 10 : i32
        %get3A_555 = arith.index_cast %get3A_554 : i32 to index
        %get3A_556 = arith.index_cast %multiple_of3A_503 : i32 to index
        %get3A_557 = tpu.vector_load %arg9[%get3A_555, %get3A_556] {strides = array<i32>} : memref<16x1024xf32, #tpu.memory_space<vmem>>, vector<1x16xf32>,
        %get3A_558 = vector.shape_cast %get3A_557 : vector<1x16xf32> to vector<16xf32>
        %get3A_559 = arith.constant 11 : i32
        %get3A_560 = arith.index_cast %get3A_559 : i32 to index
        %get3A_561 = arith.index_cast %multiple_of3A_503 : i32 to index
        %get3A_562 = tpu.vector_load %arg9[%get3A_560, %get3A_561] {strides = array<i32>} : memref<16x1024xf32, #tpu.memory_space<vmem>>, vector<1x16xf32>,
        %get3A_563 = vector.shape_cast %get3A_562 : vector<1x16xf32> to vector<16xf32>
        %get3A_564 = arith.constant 12 : i32
        %get3A_565 = arith.index_cast %get3A_564 : i32 to index
        %get3A_566 = arith.index_cast %multiple_of3A_503 : i32 to index
        %get3A_567 = tpu.vector_load %arg9[%get3A_565, %get3A_566] {strides = array<i32>} : memref<16x1024xf32, #tpu.memory_space<vmem>>, vector<1x16xf32>,
        %get3A_568 = vector.shape_cast %get3A_567 : vector<1x16xf32> to vector<16xf32>
        %get3A_569 = arith.constant 13 : i32
        %get3A_570 = arith.index_cast %get3A_569 : i32 to index
        %get3A_571 = arith.index_cast %multiple_of3A_503 : i32 to index
        %get3A_572 = tpu.vector_load %arg9[%get3A_570, %get3A_571] {strides = array<i32>} : memref<16x1024xf32, #tpu.memory_space<vmem>>, vector<1x16xf32>,
        %get3A_573 = vector.shape_cast %get3A_572 : vector<1x16xf32> to vector<16xf32>
        %get3A_574 = arith.constant 14 : i32
        %get3A_575 = arith.index_cast %get3A_574 : i32 to index
        %get3A_576 = arith.index_cast %multiple_of3A_503 : i32 to index
        %get3A_577 = tpu.vector_load %arg9[%get3A_575, %get3A_576] {strides = array<i32>} : memref<16x1024xf32, #tpu.memory_space<vmem>>, vector<1x16xf32>,
        %get3A_578 = vector.shape_cast %get3A_577 : vector<1x16xf32> to vector<16xf32>
        %get3A_579 = arith.constant 15 : i32
        %get3A_580 = arith.index_cast %get3A_579 : i32 to index
        %get3A_581 = arith.index_cast %multiple_of3A_503 : i32 to index
        %get3A_582 = tpu.vector_load %arg9[%get3A_580, %get3A_581] {strides = array<i32>} : memref<16x1024xf32, #tpu.memory_space<vmem>>, vector<1x16xf32>,
        %get3A_583 = vector.shape_cast %get3A_582 : vector<1x16xf32> to vector<16xf32>
        %max3A_584 = arith.maximumf %get3A_508, %get3A_513 : vector<16xf32>
        %max3A_585 = arith.maximumf %get3A_518, %get3A_523 : vector<16xf32>
        %max3A_586 = arith.maximumf %get3A_528, %get3A_533 : vector<16xf32>
        %max3A_587 = arith.maximumf %get3A_538, %get3A_543 : vector<16xf32>
        %max3A_588 = arith.maximumf %get3A_548, %get3A_553 : vector<16xf32>
        %max3A_589 = arith.maximumf %get3A_558, %get3A_563 : vector<16xf32>
        %max3A_590 = arith.maximumf %get3A_568, %get3A_573 : vector<16xf32>
        %max3A_591 = arith.maximumf %get3A_578, %get3A_583 : vector<16xf32>
        %max3A_592 = arith.maximumf %max3A_584, %max3A_585 : vector<16xf32>
        %max3A_593 = arith.maximumf %max3A_586, %max3A_587 : vector<16xf32>
        %max3A_594 = arith.maximumf %max3A_588, %max3A_589 : vector<16xf32>
        %max3A_595 = arith.maximumf %max3A_590, %max3A_591 : vector<16xf32>
        %max3A_596 = arith.maximumf %max3A_592, %max3A_593 : vector<16xf32>
        %max3A_597 = arith.maximumf %max3A_594, %max3A_595 : vector<16xf32>
        %max3A_598 = arith.maximumf %max3A_596, %max3A_597 : vector<16xf32>
        %get3A_599 = arith.constant 0 : i32
        %get3A_600 = arith.index_cast %get3A_599 : i32 to index
        %get3A_601 = arith.index_cast %multiple_of3A_503 : i32 to index
        %get3A_602 = tpu.vector_load %arg10[%get3A_600, %get3A_601] {strides = array<i32>} : memref<2x1024xf32, #tpu.memory_space<vmem>>, vector<1x16xf32>,
        %get3A_603 = vector.shape_cast %get3A_602 : vector<1x16xf32> to vector<16xf32>
        %get3A_604 = arith.constant 1 : i32
        %get3A_605 = arith.index_cast %get3A_604 : i32 to index
        %get3A_606 = arith.index_cast %multiple_of3A_503 : i32 to index
        %get3A_607 = tpu.vector_load %arg10[%get3A_605, %get3A_606] {strides = array<i32>} : memref<2x1024xf32, #tpu.memory_space<vmem>>, vector<1x16xf32>,
        %get3A_608 = vector.shape_cast %get3A_607 : vector<1x16xf32> to vector<16xf32>
        %max3A_609 = arith.maximumf %get3A_603, %get3A_608 : vector<16xf32>
        %mul3A_610 = arith.mulf %max3A_609, %convert_element_type3A : vector<16xf32>
        %sub3A_611 = arith.constant 1.000000e+00 : f32
        %sub3A_612 = vector.broadcast %sub3A_611 : f32 to vector<16xf32>
        %sub3A_613 = arith.subf %sub3A_612, %convert_element_type3A : vector<16xf32>
        %mul3A_614 = arith.mulf %broadcast_in_dim3A_29, %sub3A_613 : vector<16xf32>
        %add3A_615 = arith.addf %mul3A_610, %mul3A_614 : vector<16xf32>
        %max3A_616 = arith.maximumf %max3A_598, %add3A_615 : vector<16xf32>
        %mul3A_617 = arith.mulf %max3A_616, %convert_element_type3A_180 : vector<16xf32>
        %swap3A_618 = arith.index_cast %mul3A_45 : i32 to index
        %swap3A_619 = arith.index_cast %multiple_of3A_503 : i32 to index
        %swap3A_620 = tpu.vector_load %arg15[%swap3A_618, %swap3A_619] {strides = array<i32>} : memref<32x1024xf32, #tpu.memory_space<vmem>>, vector<1x16xf32>,
        %swap3A_621 = vector.shape_cast %swap3A_620 : vector<1x16xf32> to vector<16xf32>
        %swap3A_622 = vector.shape_cast %mul3A_617 : vector<16xf32> to vector<1x16xf32>
        tpu.vector_store %arg15[%swap3A_618, %swap3A_619], %swap3A_622 {strides = array<i32>} : memref<32x1024xf32, #tpu.memory_space<vmem>>, vector<1x16xf32>,
      }
      %scan3A_361 = arith.constant 64 : i32
      %dma_wait3A_362 = arith.constant 0 : i32
      %dma_wait3A_363 = arith.constant 0 : i32
      %dma_wait3A_364 = tpu.memref_slice %arg2[%dma_wait3A_362, %dma_wait3A_363] : memref<16384x1024xf32, #tpu.memory_space<hbm>> -> memref<16384x1024xf32, #tpu.memory_space<hbm>>
      tpu.wait_indirect_dma semaphore(%arg19 : memref<!tpu.dma_semaphore, #tpu.memory_space<semaphore_mem>>) src(%dma_wait3A_364 : memref<16384x1024xf32, #tpu.memory_space<hbm>>) dst(%arg11 : memref<16x1024xf32, #tpu.memory_space<vmem>>)
      %dma_wait3A_365 = arith.constant 0 : i32
      %dma_wait3A_366 = tpu.memref_slice %arg14[%dma_wait3A_365] : memref<16xi32, #tpu.memory_space<vmem>> -> memref<2xi32, #tpu.memory_space<vmem>>
      %dma_wait3A_367 = arith.constant 0 : i32
      %dma_wait3A_368 = arith.constant 0 : i32
      %dma_wait3A_369 = tpu.memref_slice %arg3[%dma_wait3A_367, %dma_wait3A_368] : memref<20480x1024xf32, #tpu.memory_space<hbm>> -> memref<20480x1024xf32, #tpu.memory_space<hbm>>
      tpu.wait_indirect_dma semaphore(%arg20 : memref<!tpu.dma_semaphore, #tpu.memory_space<semaphore_mem>>) src(%dma_wait3A_369 : memref<20480x1024xf32, #tpu.memory_space<hbm>>) dst(%arg12 : memref<2x1024xf32, #tpu.memory_space<vmem>>)
      %scan3A_370 = arith.constant 0 : i32
      %scan3A_371 = arith.constant 0 : i32
      %scan3A_372 = arith.constant 64 : i32
      %scan3A_373 = arith.addi %scan3A_371, %scan3A_372 : i32
      %scan3A_374 = arith.constant 2 : i32
      scf.for %scan3A_376 = %scan3A_371 to %scan3A_373 step %scan3A_374  : i32 {
        %mul3A_377 = arith.constant 16 : i32
        %mul3A_378 = arith.muli %scan3A_376, %mul3A_377 : i32
        %multiple_of3A_379 = tpu.assume_multiple %mul3A_378, 16 : i32
        %get3A_380 = arith.constant 0 : i32
        %get3A_381 = arith.index_cast %get3A_380 : i32 to index
        %get3A_382 = arith.index_cast %multiple_of3A_379 : i32 to index
        %get3A_383 = tpu.vector_load %arg11[%get3A_381, %get3A_382] {strides = array<i32>} : memref<16x1024xf32, #tpu.memory_space<vmem>>, vector<1x16xf32>,
        %get3A_384 = vector.shape_cast %get3A_383 : vector<1x16xf32> to vector<16xf32>
        %get3A_385 = arith.constant 1 : i32
        %get3A_386 = arith.index_cast %get3A_385 : i32 to index
        %get3A_387 = arith.index_cast %multiple_of3A_379 : i32 to index
        %get3A_388 = tpu.vector_load %arg11[%get3A_386, %get3A_387] {strides = array<i32>} : memref<16x1024xf32, #tpu.memory_space<vmem>>, vector<1x16xf32>,
        %get3A_389 = vector.shape_cast %get3A_388 : vector<1x16xf32> to vector<16xf32>
        %get3A_390 = arith.constant 2 : i32
        %get3A_391 = arith.index_cast %get3A_390 : i32 to index
        %get3A_392 = arith.index_cast %multiple_of3A_379 : i32 to index
        %get3A_393 = tpu.vector_load %arg11[%get3A_391, %get3A_392] {strides = array<i32>} : memref<16x1024xf32, #tpu.memory_space<vmem>>, vector<1x16xf32>,
        %get3A_394 = vector.shape_cast %get3A_393 : vector<1x16xf32> to vector<16xf32>
        %get3A_395 = arith.constant 3 : i32
        %get3A_396 = arith.index_cast %get3A_395 : i32 to index
        %get3A_397 = arith.index_cast %multiple_of3A_379 : i32 to index
        %get3A_398 = tpu.vector_load %arg11[%get3A_396, %get3A_397] {strides = array<i32>} : memref<16x1024xf32, #tpu.memory_space<vmem>>, vector<1x16xf32>,
        %get3A_399 = vector.shape_cast %get3A_398 : vector<1x16xf32> to vector<16xf32>
        %get3A_400 = arith.constant 4 : i32
        %get3A_401 = arith.index_cast %get3A_400 : i32 to index
        %get3A_402 = arith.index_cast %multiple_of3A_379 : i32 to index
        %get3A_403 = tpu.vector_load %arg11[%get3A_401, %get3A_402] {strides = array<i32>} : memref<16x1024xf32, #tpu.memory_space<vmem>>, vector<1x16xf32>,
        %get3A_404 = vector.shape_cast %get3A_403 : vector<1x16xf32> to vector<16xf32>
        %get3A_405 = arith.constant 5 : i32
        %get3A_406 = arith.index_cast %get3A_405 : i32 to index
        %get3A_407 = arith.index_cast %multiple_of3A_379 : i32 to index
        %get3A_408 = tpu.vector_load %arg11[%get3A_406, %get3A_407] {strides = array<i32>} : memref<16x1024xf32, #tpu.memory_space<vmem>>, vector<1x16xf32>,
        %get3A_409 = vector.shape_cast %get3A_408 : vector<1x16xf32> to vector<16xf32>
        %get3A_410 = arith.constant 6 : i32
        %get3A_411 = arith.index_cast %get3A_410 : i32 to index
        %get3A_412 = arith.index_cast %multiple_of3A_379 : i32 to index
        %get3A_413 = tpu.vector_load %arg11[%get3A_411, %get3A_412] {strides = array<i32>} : memref<16x1024xf32, #tpu.memory_space<vmem>>, vector<1x16xf32>,
        %get3A_414 = vector.shape_cast %get3A_413 : vector<1x16xf32> to vector<16xf32>
        %get3A_415 = arith.constant 7 : i32
        %get3A_416 = arith.index_cast %get3A_415 : i32 to index
        %get3A_417 = arith.index_cast %multiple_of3A_379 : i32 to index
        %get3A_418 = tpu.vector_load %arg11[%get3A_416, %get3A_417] {strides = array<i32>} : memref<16x1024xf32, #tpu.memory_space<vmem>>, vector<1x16xf32>,
        %get3A_419 = vector.shape_cast %get3A_418 : vector<1x16xf32> to vector<16xf32>
        %get3A_420 = arith.constant 8 : i32
        %get3A_421 = arith.index_cast %get3A_420 : i32 to index
        %get3A_422 = arith.index_cast %multiple_of3A_379 : i32 to index
        %get3A_423 = tpu.vector_load %arg11[%get3A_421, %get3A_422] {strides = array<i32>} : memref<16x1024xf32, #tpu.memory_space<vmem>>, vector<1x16xf32>,
        %get3A_424 = vector.shape_cast %get3A_423 : vector<1x16xf32> to vector<16xf32>
        %get3A_425 = arith.constant 9 : i32
        %get3A_426 = arith.index_cast %get3A_425 : i32 to index
        %get3A_427 = arith.index_cast %multiple_of3A_379 : i32 to index
        %get3A_428 = tpu.vector_load %arg11[%get3A_426, %get3A_427] {strides = array<i32>} : memref<16x1024xf32, #tpu.memory_space<vmem>>, vector<1x16xf32>,
        %get3A_429 = vector.shape_cast %get3A_428 : vector<1x16xf32> to vector<16xf32>
        %get3A_430 = arith.constant 10 : i32
        %get3A_431 = arith.index_cast %get3A_430 : i32 to index
        %get3A_432 = arith.index_cast %multiple_of3A_379 : i32 to index
        %get3A_433 = tpu.vector_load %arg11[%get3A_431, %get3A_432] {strides = array<i32>} : memref<16x1024xf32, #tpu.memory_space<vmem>>, vector<1x16xf32>,
        %get3A_434 = vector.shape_cast %get3A_433 : vector<1x16xf32> to vector<16xf32>
        %get3A_435 = arith.constant 11 : i32
        %get3A_436 = arith.index_cast %get3A_435 : i32 to index
        %get3A_437 = arith.index_cast %multiple_of3A_379 : i32 to index
        %get3A_438 = tpu.vector_load %arg11[%get3A_436, %get3A_437] {strides = array<i32>} : memref<16x1024xf32, #tpu.memory_space<vmem>>, vector<1x16xf32>,
        %get3A_439 = vector.shape_cast %get3A_438 : vector<1x16xf32> to vector<16xf32>
        %get3A_440 = arith.constant 12 : i32
        %get3A_441 = arith.index_cast %get3A_440 : i32 to index
        %get3A_442 = arith.index_cast %multiple_of3A_379 : i32 to index
        %get3A_443 = tpu.vector_load %arg11[%get3A_441, %get3A_442] {strides = array<i32>} : memref<16x1024xf32, #tpu.memory_space<vmem>>, vector<1x16xf32>,
        %get3A_444 = vector.shape_cast %get3A_443 : vector<1x16xf32> to vector<16xf32>
        %get3A_445 = arith.constant 13 : i32
        %get3A_446 = arith.index_cast %get3A_445 : i32 to index
        %get3A_447 = arith.index_cast %multiple_of3A_379 : i32 to index
        %get3A_448 = tpu.vector_load %arg11[%get3A_446, %get3A_447] {strides = array<i32>} : memref<16x1024xf32, #tpu.memory_space<vmem>>, vector<1x16xf32>,
        %get3A_449 = vector.shape_cast %get3A_448 : vector<1x16xf32> to vector<16xf32>
        %get3A_450 = arith.constant 14 : i32
        %get3A_451 = arith.index_cast %get3A_450 : i32 to index
        %get3A_452 = arith.index_cast %multiple_of3A_379 : i32 to index
        %get3A_453 = tpu.vector_load %arg11[%get3A_451, %get3A_452] {strides = array<i32>} : memref<16x1024xf32, #tpu.memory_space<vmem>>, vector<1x16xf32>,
        %get3A_454 = vector.shape_cast %get3A_453 : vector<1x16xf32> to vector<16xf32>
        %get3A_455 = arith.constant 15 : i32
        %get3A_456 = arith.index_cast %get3A_455 : i32 to index
        %get3A_457 = arith.index_cast %multiple_of3A_379 : i32 to index
        %get3A_458 = tpu.vector_load %arg11[%get3A_456, %get3A_457] {strides = array<i32>} : memref<16x1024xf32, #tpu.memory_space<vmem>>, vector<1x16xf32>,
        %get3A_459 = vector.shape_cast %get3A_458 : vector<1x16xf32> to vector<16xf32>
        %max3A_460 = arith.maximumf %get3A_384, %get3A_389 : vector<16xf32>
        %max3A_461 = arith.maximumf %get3A_394, %get3A_399 : vector<16xf32>
        %max3A_462 = arith.maximumf %get3A_404, %get3A_409 : vector<16xf32>
        %max3A_463 = arith.maximumf %get3A_414, %get3A_419 : vector<16xf32>
        %max3A_464 = arith.maximumf %get3A_424, %get3A_429 : vector<16xf32>
        %max3A_465 = arith.maximumf %get3A_434, %get3A_439 : vector<16xf32>
        %max3A_466 = arith.maximumf %get3A_444, %get3A_449 : vector<16xf32>
        %max3A_467 = arith.maximumf %get3A_454, %get3A_459 : vector<16xf32>
        %max3A_468 = arith.maximumf %max3A_460, %max3A_461 : vector<16xf32>
        %max3A_469 = arith.maximumf %max3A_462, %max3A_463 : vector<16xf32>
        %max3A_470 = arith.maximumf %max3A_464, %max3A_465 : vector<16xf32>
        %max3A_471 = arith.maximumf %max3A_466, %max3A_467 : vector<16xf32>
        %max3A_472 = arith.maximumf %max3A_468, %max3A_469 : vector<16xf32>
        %max3A_473 = arith.maximumf %max3A_470, %max3A_471 : vector<16xf32>
        %max3A_474 = arith.maximumf %max3A_472, %max3A_473 : vector<16xf32>
        %get3A_475 = arith.constant 0 : i32
        %get3A_476 = arith.index_cast %get3A_475 : i32 to index
        %get3A_477 = arith.index_cast %multiple_of3A_379 : i32 to index
        %get3A_478 = tpu.vector_load %arg12[%get3A_476, %get3A_477] {strides = array<i32>} : memref<2x1024xf32, #tpu.memory_space<vmem>>, vector<1x16xf32>,
        %get3A_479 = vector.shape_cast %get3A_478 : vector<1x16xf32> to vector<16xf32>
        %get3A_480 = arith.constant 1 : i32
        %get3A_481 = arith.index_cast %get3A_480 : i32 to index
        %get3A_482 = arith.index_cast %multiple_of3A_379 : i32 to index
        %get3A_483 = tpu.vector_load %arg12[%get3A_481, %get3A_482] {strides = array<i32>} : memref<2x1024xf32, #tpu.memory_space<vmem>>, vector<1x16xf32>,
        %get3A_484 = vector.shape_cast %get3A_483 : vector<1x16xf32> to vector<16xf32>
        %max3A_485 = arith.maximumf %get3A_479, %get3A_484 : vector<16xf32>
        %mul3A_486 = arith.mulf %max3A_485, %convert_element_type3A_332 : vector<16xf32>
        %sub3A_487 = arith.constant 1.000000e+00 : f32
        %sub3A_488 = vector.broadcast %sub3A_487 : f32 to vector<16xf32>
        %sub3A_489 = arith.subf %sub3A_488, %convert_element_type3A_332 : vector<16xf32>
        %mul3A_490 = arith.mulf %broadcast_in_dim3A_29, %sub3A_489 : vector<16xf32>
        %add3A_491 = arith.addf %mul3A_486, %mul3A_490 : vector<16xf32>
        %max3A_492 = arith.maximumf %max3A_474, %add3A_491 : vector<16xf32>
        %mul3A_493 = arith.mulf %max3A_492, %convert_element_type3A_335 : vector<16xf32>
        %swap3A_494 = arith.index_cast %add3A_47 : i32 to index
        %swap3A_495 = arith.index_cast %multiple_of3A_379 : i32 to index
        %swap3A_496 = tpu.vector_load %arg15[%swap3A_494, %swap3A_495] {strides = array<i32>} : memref<32x1024xf32, #tpu.memory_space<vmem>>, vector<1x16xf32>,
        %swap3A_497 = vector.shape_cast %swap3A_496 : vector<1x16xf32> to vector<16xf32>
        %swap3A_498 = vector.shape_cast %mul3A_493 : vector<16xf32> to vector<1x16xf32>
        tpu.vector_store %arg15[%swap3A_494, %swap3A_495], %swap3A_498 {strides = array<i32>} : memref<32x1024xf32, #tpu.memory_space<vmem>>, vector<1x16xf32>,
        %scan3A_499 = arith.constant 1 : i32
        %scan3A_500 = arith.addi %scan3A_376, %scan3A_499 : i32
        %mul3A_501 = arith.constant 16 : i32
        %mul3A_502 = arith.muli %scan3A_500, %mul3A_501 : i32
        %multiple_of3A_503 = tpu.assume_multiple %mul3A_502, 16 : i32
        %get3A_504 = arith.constant 0 : i32
        %get3A_505 = arith.index_cast %get3A_504 : i32 to index
        %get3A_506 = arith.index_cast %multiple_of3A_503 : i32 to index
        %get3A_507 = tpu.vector_load %arg11[%get3A_505, %get3A_506] {strides = array<i32>} : memref<16x1024xf32, #tpu.memory_space<vmem>>, vector<1x16xf32>,
        %get3A_508 = vector.shape_cast %get3A_507 : vector<1x16xf32> to vector<16xf32>
        %get3A_509 = arith.constant 1 : i32
        %get3A_510 = arith.index_cast %get3A_509 : i32 to index
        %get3A_511 = arith.index_cast %multiple_of3A_503 : i32 to index
        %get3A_512 = tpu.vector_load %arg11[%get3A_510, %get3A_511] {strides = array<i32>} : memref<16x1024xf32, #tpu.memory_space<vmem>>, vector<1x16xf32>,
        %get3A_513 = vector.shape_cast %get3A_512 : vector<1x16xf32> to vector<16xf32>
        %get3A_514 = arith.constant 2 : i32
        %get3A_515 = arith.index_cast %get3A_514 : i32 to index
        %get3A_516 = arith.index_cast %multiple_of3A_503 : i32 to index
        %get3A_517 = tpu.vector_load %arg11[%get3A_515, %get3A_516] {strides = array<i32>} : memref<16x1024xf32, #tpu.memory_space<vmem>>, vector<1x16xf32>,
        %get3A_518 = vector.shape_cast %get3A_517 : vector<1x16xf32> to vector<16xf32>
        %get3A_519 = arith.constant 3 : i32
        %get3A_520 = arith.index_cast %get3A_519 : i32 to index
        %get3A_521 = arith.index_cast %multiple_of3A_503 : i32 to index
        %get3A_522 = tpu.vector_load %arg11[%get3A_520, %get3A_521] {strides = array<i32>} : memref<16x1024xf32, #tpu.memory_space<vmem>>, vector<1x16xf32>,
        %get3A_523 = vector.shape_cast %get3A_522 : vector<1x16xf32> to vector<16xf32>
        %get3A_524 = arith.constant 4 : i32
        %get3A_525 = arith.index_cast %get3A_524 : i32 to index
        %get3A_526 = arith.index_cast %multiple_of3A_503 : i32 to index
        %get3A_527 = tpu.vector_load %arg11[%get3A_525, %get3A_526] {strides = array<i32>} : memref<16x1024xf32, #tpu.memory_space<vmem>>, vector<1x16xf32>,
        %get3A_528 = vector.shape_cast %get3A_527 : vector<1x16xf32> to vector<16xf32>
        %get3A_529 = arith.constant 5 : i32
        %get3A_530 = arith.index_cast %get3A_529 : i32 to index
        %get3A_531 = arith.index_cast %multiple_of3A_503 : i32 to index
        %get3A_532 = tpu.vector_load %arg11[%get3A_530, %get3A_531] {strides = array<i32>} : memref<16x1024xf32, #tpu.memory_space<vmem>>, vector<1x16xf32>,
        %get3A_533 = vector.shape_cast %get3A_532 : vector<1x16xf32> to vector<16xf32>
        %get3A_534 = arith.constant 6 : i32
        %get3A_535 = arith.index_cast %get3A_534 : i32 to index
        %get3A_536 = arith.index_cast %multiple_of3A_503 : i32 to index
        %get3A_537 = tpu.vector_load %arg11[%get3A_535, %get3A_536] {strides = array<i32>} : memref<16x1024xf32, #tpu.memory_space<vmem>>, vector<1x16xf32>,
        %get3A_538 = vector.shape_cast %get3A_537 : vector<1x16xf32> to vector<16xf32>
        %get3A_539 = arith.constant 7 : i32
        %get3A_540 = arith.index_cast %get3A_539 : i32 to index
        %get3A_541 = arith.index_cast %multiple_of3A_503 : i32 to index
        %get3A_542 = tpu.vector_load %arg11[%get3A_540, %get3A_541] {strides = array<i32>} : memref<16x1024xf32, #tpu.memory_space<vmem>>, vector<1x16xf32>,
        %get3A_543 = vector.shape_cast %get3A_542 : vector<1x16xf32> to vector<16xf32>
        %get3A_544 = arith.constant 8 : i32
        %get3A_545 = arith.index_cast %get3A_544 : i32 to index
        %get3A_546 = arith.index_cast %multiple_of3A_503 : i32 to index
        %get3A_547 = tpu.vector_load %arg11[%get3A_545, %get3A_546] {strides = array<i32>} : memref<16x1024xf32, #tpu.memory_space<vmem>>, vector<1x16xf32>,
        %get3A_548 = vector.shape_cast %get3A_547 : vector<1x16xf32> to vector<16xf32>
        %get3A_549 = arith.constant 9 : i32
        %get3A_550 = arith.index_cast %get3A_549 : i32 to index
        %get3A_551 = arith.index_cast %multiple_of3A_503 : i32 to index
        %get3A_552 = tpu.vector_load %arg11[%get3A_550, %get3A_551] {strides = array<i32>} : memref<16x1024xf32, #tpu.memory_space<vmem>>, vector<1x16xf32>,
        %get3A_553 = vector.shape_cast %get3A_552 : vector<1x16xf32> to vector<16xf32>
        %get3A_554 = arith.constant 10 : i32
        %get3A_555 = arith.index_cast %get3A_554 : i32 to index
        %get3A_556 = arith.index_cast %multiple_of3A_503 : i32 to index
        %get3A_557 = tpu.vector_load %arg11[%get3A_555, %get3A_556] {strides = array<i32>} : memref<16x1024xf32, #tpu.memory_space<vmem>>, vector<1x16xf32>,
        %get3A_558 = vector.shape_cast %get3A_557 : vector<1x16xf32> to vector<16xf32>
        %get3A_559 = arith.constant 11 : i32
        %get3A_560 = arith.index_cast %get3A_559 : i32 to index
        %get3A_561 = arith.index_cast %multiple_of3A_503 : i32 to index
        %get3A_562 = tpu.vector_load %arg11[%get3A_560, %get3A_561] {strides = array<i32>} : memref<16x1024xf32, #tpu.memory_space<vmem>>, vector<1x16xf32>,
        %get3A_563 = vector.shape_cast %get3A_562 : vector<1x16xf32> to vector<16xf32>
        %get3A_564 = arith.constant 12 : i32
        %get3A_565 = arith.index_cast %get3A_564 : i32 to index
        %get3A_566 = arith.index_cast %multiple_of3A_503 : i32 to index
        %get3A_567 = tpu.vector_load %arg11[%get3A_565, %get3A_566] {strides = array<i32>} : memref<16x1024xf32, #tpu.memory_space<vmem>>, vector<1x16xf32>,
        %get3A_568 = vector.shape_cast %get3A_567 : vector<1x16xf32> to vector<16xf32>
        %get3A_569 = arith.constant 13 : i32
        %get3A_570 = arith.index_cast %get3A_569 : i32 to index
        %get3A_571 = arith.index_cast %multiple_of3A_503 : i32 to index
        %get3A_572 = tpu.vector_load %arg11[%get3A_570, %get3A_571] {strides = array<i32>} : memref<16x1024xf32, #tpu.memory_space<vmem>>, vector<1x16xf32>,
        %get3A_573 = vector.shape_cast %get3A_572 : vector<1x16xf32> to vector<16xf32>
        %get3A_574 = arith.constant 14 : i32
        %get3A_575 = arith.index_cast %get3A_574 : i32 to index
        %get3A_576 = arith.index_cast %multiple_of3A_503 : i32 to index
        %get3A_577 = tpu.vector_load %arg11[%get3A_575, %get3A_576] {strides = array<i32>} : memref<16x1024xf32, #tpu.memory_space<vmem>>, vector<1x16xf32>,
        %get3A_578 = vector.shape_cast %get3A_577 : vector<1x16xf32> to vector<16xf32>
        %get3A_579 = arith.constant 15 : i32
        %get3A_580 = arith.index_cast %get3A_579 : i32 to index
        %get3A_581 = arith.index_cast %multiple_of3A_503 : i32 to index
        %get3A_582 = tpu.vector_load %arg11[%get3A_580, %get3A_581] {strides = array<i32>} : memref<16x1024xf32, #tpu.memory_space<vmem>>, vector<1x16xf32>,
        %get3A_583 = vector.shape_cast %get3A_582 : vector<1x16xf32> to vector<16xf32>
        %max3A_584 = arith.maximumf %get3A_508, %get3A_513 : vector<16xf32>
        %max3A_585 = arith.maximumf %get3A_518, %get3A_523 : vector<16xf32>
        %max3A_586 = arith.maximumf %get3A_528, %get3A_533 : vector<16xf32>
        %max3A_587 = arith.maximumf %get3A_538, %get3A_543 : vector<16xf32>
        %max3A_588 = arith.maximumf %get3A_548, %get3A_553 : vector<16xf32>
        %max3A_589 = arith.maximumf %get3A_558, %get3A_563 : vector<16xf32>
        %max3A_590 = arith.maximumf %get3A_568, %get3A_573 : vector<16xf32>
        %max3A_591 = arith.maximumf %get3A_578, %get3A_583 : vector<16xf32>
        %max3A_592 = arith.maximumf %max3A_584, %max3A_585 : vector<16xf32>
        %max3A_593 = arith.maximumf %max3A_586, %max3A_587 : vector<16xf32>
        %max3A_594 = arith.maximumf %max3A_588, %max3A_589 : vector<16xf32>
        %max3A_595 = arith.maximumf %max3A_590, %max3A_591 : vector<16xf32>
        %max3A_596 = arith.maximumf %max3A_592, %max3A_593 : vector<16xf32>
        %max3A_597 = arith.maximumf %max3A_594, %max3A_595 : vector<16xf32>
        %max3A_598 = arith.maximumf %max3A_596, %max3A_597 : vector<16xf32>
        %get3A_599 = arith.constant 0 : i32
        %get3A_600 = arith.index_cast %get3A_599 : i32 to index
        %get3A_601 = arith.index_cast %multiple_of3A_503 : i32 to index
        %get3A_602 = tpu.vector_load %arg12[%get3A_600, %get3A_601] {strides = array<i32>} : memref<2x1024xf32, #tpu.memory_space<vmem>>, vector<1x16xf32>,
        %get3A_603 = vector.shape_cast %get3A_602 : vector<1x16xf32> to vector<16xf32>
        %get3A_604 = arith.constant 1 : i32
        %get3A_605 = arith.index_cast %get3A_604 : i32 to index
        %get3A_606 = arith.index_cast %multiple_of3A_503 : i32 to index
        %get3A_607 = tpu.vector_load %arg12[%get3A_605, %get3A_606] {strides = array<i32>} : memref<2x1024xf32, #tpu.memory_space<vmem>>, vector<1x16xf32>,
        %get3A_608 = vector.shape_cast %get3A_607 : vector<1x16xf32> to vector<16xf32>
        %max3A_609 = arith.maximumf %get3A_603, %get3A_608 : vector<16xf32>
        %mul3A_610 = arith.mulf %max3A_609, %convert_element_type3A_332 : vector<16xf32>
        %sub3A_611 = arith.constant 1.000000e+00 : f32
        %sub3A_612 = vector.broadcast %sub3A_611 : f32 to vector<16xf32>
        %sub3A_613 = arith.subf %sub3A_612, %convert_element_type3A_332 : vector<16xf32>
        %mul3A_614 = arith.mulf %broadcast_in_dim3A_29, %sub3A_613 : vector<16xf32>
        %add3A_615 = arith.addf %mul3A_610, %mul3A_614 : vector<16xf32>
        %max3A_616 = arith.maximumf %max3A_598, %add3A_615 : vector<16xf32>
        %mul3A_617 = arith.mulf %max3A_616, %convert_element_type3A_335 : vector<16xf32>
        %swap3A_618 = arith.index_cast %add3A_47 : i32 to index
        %swap3A_619 = arith.index_cast %multiple_of3A_503 : i32 to index
        %swap3A_620 = tpu.vector_load %arg15[%swap3A_618, %swap3A_619] {strides = array<i32>} : memref<32x1024xf32, #tpu.memory_space<vmem>>, vector<1x16xf32>,
        %swap3A_621 = vector.shape_cast %swap3A_620 : vector<1x16xf32> to vector<16xf32>
        %swap3A_622 = vector.shape_cast %mul3A_617 : vector<16xf32> to vector<1x16xf32>
        tpu.vector_store %arg15[%swap3A_618, %swap3A_619], %swap3A_622 {strides = array<i32>} : memref<32x1024xf32, #tpu.memory_space<vmem>>, vector<1x16xf32>,
      }
      %scan3A_375 = arith.constant 64 : i32
    }
    %scan3A_34 = arith.constant 16 : i32
    %dma_start3A_35 = arith.constant 0 : i32
    %dma_start3A_36 = tpu.memref_slice %arg6[%mul3A_2, %dma_start3A_35] : memref<1024x1024xf32, #tpu.memory_space<hbm>> -> memref<32x1024xf32, #tpu.memory_space<hbm>>
    %dma_start3A_37 = arith.constant 0 : i32
    %dma_start3A_38 = tpu.memref_slice %arg6[%mul3A_2, %dma_start3A_37] : memref<1024x1024xf32, #tpu.memory_space<hbm>> -> memref<32x1024xf32, #tpu.memory_space<hbm>>
    tpu.enqueue_dma source(%arg15 : memref<32x1024xf32, #tpu.memory_space<vmem>>) target(%dma_start3A_38 : memref<32x1024xf32, #tpu.memory_space<hbm>>) target_semaphore(%arg16 : memref<!tpu.dma_semaphore, #tpu.memory_space<semaphore_mem>>)
    %dma_wait3A_39 = arith.constant 0 : i32
    %dma_wait3A_40 = tpu.memref_slice %arg6[%mul3A_2, %dma_wait3A_39] : memref<1024x1024xf32, #tpu.memory_space<hbm>> -> memref<32x1024xf32, #tpu.memory_space<hbm>>
    %dma_wait3A_41 = arith.constant 0 : i32
    %dma_wait3A_42 = tpu.memref_slice %arg6[%mul3A_2, %dma_wait3A_41] : memref<1024x1024xf32, #tpu.memory_space<hbm>> -> memref<32x1024xf32, #tpu.memory_space<hbm>>
    tpu.wait_dma2 semaphore(%arg16 : memref<!tpu.dma_semaphore, #tpu.memory_space<semaphore_mem>>) src(%arg15 : memref<32x1024xf32, #tpu.memory_space<vmem>>) dst(%dma_wait3A_42 : memref<32x1024xf32, #tpu.memory_space<hbm>>)
    return
  }
}

module attributes {stable_mosaic.version = 14 : i64} {
  func.func @_pyramid_kernel(%arg0: i32, %arg1: i32, %arg2: memref<1x128x8x1024xf32, #tpu.memory_space<vmem>>, %arg3: memref<1x1x512x1024xf32, #tpu.memory_space<vmem>>, %arg4: memref<512x1024xf32, #tpu.memory_space<vmem>>) attributes {dimension_semantics = [#tpu.dimension_semantics<arbitrary>, #tpu.dimension_semantics<arbitrary>], iteration_bounds = array<i64: 4, 14>, scalar_prefetch = 0 : i64, scratch_operands = 1 : i64, tpu.core_type = #tpu.core_type<tc>, window_params = [{transform_indices = @transform_0, window_bounds = array<i64: 1, 128, 8, 1024>}, {transform_indices = @transform_1, window_bounds = array<i64: 1, 1, 512, 1024>}]} {
    %lt3A = arith.constant 4 : i32
    %lt3A_0 = arith.cmpi slt, %arg1, %lt3A : i32
    %convert_element_type3A = arith.extui %lt3A_0 : i1 to i32
    %cond3A = arith.constant 0 : i32
    %cond3A_1 = arith.cmpi ne, %convert_element_type3A, %cond3A : i32
    scf.if %cond3A_1 {
      %get3A = arith.constant 0 : index
      %get3A_51 = arith.constant 0 : index
      %get3A_52 = arith.constant 0 : index
      %get3A_53 = arith.constant 0 : index
      %get3A_54 = vector.load %arg2[%get3A, %get3A_51, %get3A_52, %get3A_53] : memref<1x128x8x1024xf32, #tpu.memory_space<vmem>>, vector<1x128x8x1024xf32>
      %get3A_55 = vector.shape_cast %get3A_54 : vector<1x128x8x1024xf32> to vector<128x8x1024xf32>
      %reduce_max3A = arith.constant dense<0xFF800000> : vector<128x1024xf32>
      %reduce_max3A_56 = vector.multi_reduction <maximumf>, %get3A_55, %reduce_max3A [1] : vector<128x8x1024xf32> to vector<128x1024xf32>
      %mul3A = arith.constant 128 : i32
      %mul3A_57 = arith.muli %arg1, %mul3A : i32
      %swap3A = arith.index_cast %mul3A_57 : i32 to index
      %swap3A_58 = arith.constant 0 : index
      %swap3A_59 = vector.load %arg4[%swap3A, %swap3A_58] : memref<512x1024xf32, #tpu.memory_space<vmem>>, vector<128x1024xf32>
      tpu.vector_store %arg4[%swap3A, %swap3A_58], %reduce_max3A_56 {strides = array<i32>} : memref<512x1024xf32, #tpu.memory_space<vmem>>, vector<128x1024xf32>,
    } else {
    }
    %eq3A = arith.constant 4 : i32
    %eq3A_2 = arith.cmpi eq, %arg1, %eq3A : i32
    %convert_element_type3A_3 = arith.extui %eq3A_2 : i1 to i32
    %cond3A_4 = arith.constant 0 : i32
    %cond3A_5 = arith.cmpi ne, %convert_element_type3A_3, %cond3A_4 : i32
    scf.if %cond3A_5 {
      %get3A = arith.constant 0 : index
      %get3A_51 = arith.constant 0 : index
      %get3A_52 = vector.load %arg4[%get3A, %get3A_51] : memref<512x1024xf32, #tpu.memory_space<vmem>>, vector<512x1024xf32>
      %swap3A = arith.constant 0 : index
      %swap3A_53 = arith.constant 0 : index
      %swap3A_54 = arith.constant 0 : index
      %swap3A_55 = arith.constant 0 : index
      %swap3A_56 = vector.load %arg3[%swap3A, %swap3A_53, %swap3A_54, %swap3A_55] : memref<1x1x512x1024xf32, #tpu.memory_space<vmem>>, vector<1x1x512x1024xf32>
      %swap3A_57 = vector.shape_cast %swap3A_56 : vector<1x1x512x1024xf32> to vector<512x1024xf32>
      %swap3A_58 = vector.shape_cast %get3A_52 : vector<512x1024xf32> to vector<1x1x512x1024xf32>
      tpu.vector_store %arg3[%swap3A, %swap3A_53, %swap3A_54, %swap3A_55], %swap3A_58 {strides = array<i32>} : memref<1x1x512x1024xf32, #tpu.memory_space<vmem>>, vector<1x1x512x1024xf32>,
    } else {
    }
    %eq3A_6 = arith.constant 5 : i32
    %eq3A_7 = arith.cmpi eq, %arg1, %eq3A_6 : i32
    %convert_element_type3A_8 = arith.extui %eq3A_7 : i1 to i32
    %cond3A_9 = arith.constant 0 : i32
    %cond3A_10 = arith.cmpi ne, %convert_element_type3A_8, %cond3A_9 : i32
    scf.if %cond3A_10 {
      %get3A = arith.constant 0 : index
      %get3A_51 = arith.constant 0 : index
      %get3A_52 = vector.load %arg4[%get3A, %get3A_51] : memref<512x1024xf32, #tpu.memory_space<vmem>>, vector<512x1024xf32>
      %slice3A = vector.extract_strided_slice %get3A_52 {offsets = [1, 0], sizes = [511, 1024], strides = [1, 1]} : vector<512x1024xf32> to vector<511x1024xf32>
      %broadcast_in_dim3A = arith.constant -3.40282347E+38 : f32
      %broadcast_in_dim3A_53 = vector.broadcast %broadcast_in_dim3A : f32 to vector<1x1024xf32>
      %concatenate3A = tpu.concatenate %slice3A, %broadcast_in_dim3A_53 in 0 : vector<511x1024xf32>, vector<1x1024xf32> -> vector<512x1024xf32>
      %max3A = arith.maximumf %get3A_52, %concatenate3A : vector<512x1024xf32>
      %swap3A = arith.constant 0 : index
      %swap3A_54 = arith.constant 0 : index
      %swap3A_55 = arith.constant 0 : index
      %swap3A_56 = arith.constant 0 : index
      %swap3A_57 = vector.load %arg3[%swap3A, %swap3A_54, %swap3A_55, %swap3A_56] : memref<1x1x512x1024xf32, #tpu.memory_space<vmem>>, vector<1x1x512x1024xf32>
      %swap3A_58 = vector.shape_cast %swap3A_57 : vector<1x1x512x1024xf32> to vector<512x1024xf32>
      %swap3A_59 = vector.shape_cast %max3A : vector<512x1024xf32> to vector<1x1x512x1024xf32>
      tpu.vector_store %arg3[%swap3A, %swap3A_54, %swap3A_55, %swap3A_56], %swap3A_59 {strides = array<i32>} : memref<1x1x512x1024xf32, #tpu.memory_space<vmem>>, vector<1x1x512x1024xf32>,
      %swap3A_60 = arith.constant 0 : index
      %swap3A_61 = arith.constant 0 : index
      %swap3A_62 = vector.load %arg4[%swap3A_60, %swap3A_61] : memref<512x1024xf32, #tpu.memory_space<vmem>>, vector<512x1024xf32>
      tpu.vector_store %arg4[%swap3A_60, %swap3A_61], %max3A {strides = array<i32>} : memref<512x1024xf32, #tpu.memory_space<vmem>>, vector<512x1024xf32>,
    } else {
    }
    %eq3A_11 = arith.constant 6 : i32
    %eq3A_12 = arith.cmpi eq, %arg1, %eq3A_11 : i32
    %convert_element_type3A_13 = arith.extui %eq3A_12 : i1 to i32
    %cond3A_14 = arith.constant 0 : i32
    %cond3A_15 = arith.cmpi ne, %convert_element_type3A_13, %cond3A_14 : i32
    scf.if %cond3A_15 {
      %get3A = arith.constant 0 : index
      %get3A_51 = arith.constant 0 : index
      %get3A_52 = vector.load %arg4[%get3A, %get3A_51] : memref<512x1024xf32, #tpu.memory_space<vmem>>, vector<512x1024xf32>
      %slice3A = vector.extract_strided_slice %get3A_52 {offsets = [2, 0], sizes = [510, 1024], strides = [1, 1]} : vector<512x1024xf32> to vector<510x1024xf32>
      %broadcast_in_dim3A = arith.constant -3.40282347E+38 : f32
      %broadcast_in_dim3A_53 = vector.broadcast %broadcast_in_dim3A : f32 to vector<2x1024xf32>
      %concatenate3A = tpu.concatenate %slice3A, %broadcast_in_dim3A_53 in 0 : vector<510x1024xf32>, vector<2x1024xf32> -> vector<512x1024xf32>
      %max3A = arith.maximumf %get3A_52, %concatenate3A : vector<512x1024xf32>
      %swap3A = arith.constant 0 : index
      %swap3A_54 = arith.constant 0 : index
      %swap3A_55 = arith.constant 0 : index
      %swap3A_56 = arith.constant 0 : index
      %swap3A_57 = vector.load %arg3[%swap3A, %swap3A_54, %swap3A_55, %swap3A_56] : memref<1x1x512x1024xf32, #tpu.memory_space<vmem>>, vector<1x1x512x1024xf32>
      %swap3A_58 = vector.shape_cast %swap3A_57 : vector<1x1x512x1024xf32> to vector<512x1024xf32>
      %swap3A_59 = vector.shape_cast %max3A : vector<512x1024xf32> to vector<1x1x512x1024xf32>
      tpu.vector_store %arg3[%swap3A, %swap3A_54, %swap3A_55, %swap3A_56], %swap3A_59 {strides = array<i32>} : memref<1x1x512x1024xf32, #tpu.memory_space<vmem>>, vector<1x1x512x1024xf32>,
      %swap3A_60 = arith.constant 0 : index
      %swap3A_61 = arith.constant 0 : index
      %swap3A_62 = vector.load %arg4[%swap3A_60, %swap3A_61] : memref<512x1024xf32, #tpu.memory_space<vmem>>, vector<512x1024xf32>
      tpu.vector_store %arg4[%swap3A_60, %swap3A_61], %max3A {strides = array<i32>} : memref<512x1024xf32, #tpu.memory_space<vmem>>, vector<512x1024xf32>,
    } else {
    }
    %eq3A_16 = arith.constant 7 : i32
    %eq3A_17 = arith.cmpi eq, %arg1, %eq3A_16 : i32
    %convert_element_type3A_18 = arith.extui %eq3A_17 : i1 to i32
    %cond3A_19 = arith.constant 0 : i32
    %cond3A_20 = arith.cmpi ne, %convert_element_type3A_18, %cond3A_19 : i32
    scf.if %cond3A_20 {
      %get3A = arith.constant 0 : index
      %get3A_51 = arith.constant 0 : index
      %get3A_52 = vector.load %arg4[%get3A, %get3A_51] : memref<512x1024xf32, #tpu.memory_space<vmem>>, vector<512x1024xf32>
      %slice3A = vector.extract_strided_slice %get3A_52 {offsets = [4, 0], sizes = [508, 1024], strides = [1, 1]} : vector<512x1024xf32> to vector<508x1024xf32>
      %broadcast_in_dim3A = arith.constant -3.40282347E+38 : f32
      %broadcast_in_dim3A_53 = vector.broadcast %broadcast_in_dim3A : f32 to vector<4x1024xf32>
      %concatenate3A = tpu.concatenate %slice3A, %broadcast_in_dim3A_53 in 0 : vector<508x1024xf32>, vector<4x1024xf32> -> vector<512x1024xf32>
      %max3A = arith.maximumf %get3A_52, %concatenate3A : vector<512x1024xf32>
      %swap3A = arith.constant 0 : index
      %swap3A_54 = arith.constant 0 : index
      %swap3A_55 = arith.constant 0 : index
      %swap3A_56 = arith.constant 0 : index
      %swap3A_57 = vector.load %arg3[%swap3A, %swap3A_54, %swap3A_55, %swap3A_56] : memref<1x1x512x1024xf32, #tpu.memory_space<vmem>>, vector<1x1x512x1024xf32>
      %swap3A_58 = vector.shape_cast %swap3A_57 : vector<1x1x512x1024xf32> to vector<512x1024xf32>
      %swap3A_59 = vector.shape_cast %max3A : vector<512x1024xf32> to vector<1x1x512x1024xf32>
      tpu.vector_store %arg3[%swap3A, %swap3A_54, %swap3A_55, %swap3A_56], %swap3A_59 {strides = array<i32>} : memref<1x1x512x1024xf32, #tpu.memory_space<vmem>>, vector<1x1x512x1024xf32>,
      %swap3A_60 = arith.constant 0 : index
      %swap3A_61 = arith.constant 0 : index
      %swap3A_62 = vector.load %arg4[%swap3A_60, %swap3A_61] : memref<512x1024xf32, #tpu.memory_space<vmem>>, vector<512x1024xf32>
      tpu.vector_store %arg4[%swap3A_60, %swap3A_61], %max3A {strides = array<i32>} : memref<512x1024xf32, #tpu.memory_space<vmem>>, vector<512x1024xf32>,
    } else {
    }
    %eq3A_21 = arith.constant 8 : i32
    %eq3A_22 = arith.cmpi eq, %arg1, %eq3A_21 : i32
    %convert_element_type3A_23 = arith.extui %eq3A_22 : i1 to i32
    %cond3A_24 = arith.constant 0 : i32
    %cond3A_25 = arith.cmpi ne, %convert_element_type3A_23, %cond3A_24 : i32
    scf.if %cond3A_25 {
      %get3A = arith.constant 0 : index
      %get3A_51 = arith.constant 0 : index
      %get3A_52 = vector.load %arg4[%get3A, %get3A_51] : memref<512x1024xf32, #tpu.memory_space<vmem>>, vector<512x1024xf32>
      %slice3A = vector.extract_strided_slice %get3A_52 {offsets = [8, 0], sizes = [504, 1024], strides = [1, 1]} : vector<512x1024xf32> to vector<504x1024xf32>
      %broadcast_in_dim3A = arith.constant -3.40282347E+38 : f32
      %broadcast_in_dim3A_53 = vector.broadcast %broadcast_in_dim3A : f32 to vector<8x1024xf32>
      %concatenate3A = tpu.concatenate %slice3A, %broadcast_in_dim3A_53 in 0 : vector<504x1024xf32>, vector<8x1024xf32> -> vector<512x1024xf32>
      %max3A = arith.maximumf %get3A_52, %concatenate3A : vector<512x1024xf32>
      %swap3A = arith.constant 0 : index
      %swap3A_54 = arith.constant 0 : index
      %swap3A_55 = arith.constant 0 : index
      %swap3A_56 = arith.constant 0 : index
      %swap3A_57 = vector.load %arg3[%swap3A, %swap3A_54, %swap3A_55, %swap3A_56] : memref<1x1x512x1024xf32, #tpu.memory_space<vmem>>, vector<1x1x512x1024xf32>
      %swap3A_58 = vector.shape_cast %swap3A_57 : vector<1x1x512x1024xf32> to vector<512x1024xf32>
      %swap3A_59 = vector.shape_cast %max3A : vector<512x1024xf32> to vector<1x1x512x1024xf32>
      tpu.vector_store %arg3[%swap3A, %swap3A_54, %swap3A_55, %swap3A_56], %swap3A_59 {strides = array<i32>} : memref<1x1x512x1024xf32, #tpu.memory_space<vmem>>, vector<1x1x512x1024xf32>,
      %swap3A_60 = arith.constant 0 : index
      %swap3A_61 = arith.constant 0 : index
      %swap3A_62 = vector.load %arg4[%swap3A_60, %swap3A_61] : memref<512x1024xf32, #tpu.memory_space<vmem>>, vector<512x1024xf32>
      tpu.vector_store %arg4[%swap3A_60, %swap3A_61], %max3A {strides = array<i32>} : memref<512x1024xf32, #tpu.memory_space<vmem>>, vector<512x1024xf32>,
    } else {
    }
    %eq3A_26 = arith.constant 9 : i32
    %eq3A_27 = arith.cmpi eq, %arg1, %eq3A_26 : i32
    %convert_element_type3A_28 = arith.extui %eq3A_27 : i1 to i32
    %cond3A_29 = arith.constant 0 : i32
    %cond3A_30 = arith.cmpi ne, %convert_element_type3A_28, %cond3A_29 : i32
    scf.if %cond3A_30 {
      %get3A = arith.constant 0 : index
      %get3A_51 = arith.constant 0 : index
      %get3A_52 = vector.load %arg4[%get3A, %get3A_51] : memref<512x1024xf32, #tpu.memory_space<vmem>>, vector<512x1024xf32>
      %slice3A = vector.extract_strided_slice %get3A_52 {offsets = [16, 0], sizes = [496, 1024], strides = [1, 1]} : vector<512x1024xf32> to vector<496x1024xf32>
      %broadcast_in_dim3A = arith.constant -3.40282347E+38 : f32
      %broadcast_in_dim3A_53 = vector.broadcast %broadcast_in_dim3A : f32 to vector<16x1024xf32>
      %concatenate3A = tpu.concatenate %slice3A, %broadcast_in_dim3A_53 in 0 : vector<496x1024xf32>, vector<16x1024xf32> -> vector<512x1024xf32>
      %max3A = arith.maximumf %get3A_52, %concatenate3A : vector<512x1024xf32>
      %swap3A = arith.constant 0 : index
      %swap3A_54 = arith.constant 0 : index
      %swap3A_55 = arith.constant 0 : index
      %swap3A_56 = arith.constant 0 : index
      %swap3A_57 = vector.load %arg3[%swap3A, %swap3A_54, %swap3A_55, %swap3A_56] : memref<1x1x512x1024xf32, #tpu.memory_space<vmem>>, vector<1x1x512x1024xf32>
      %swap3A_58 = vector.shape_cast %swap3A_57 : vector<1x1x512x1024xf32> to vector<512x1024xf32>
      %swap3A_59 = vector.shape_cast %max3A : vector<512x1024xf32> to vector<1x1x512x1024xf32>
      tpu.vector_store %arg3[%swap3A, %swap3A_54, %swap3A_55, %swap3A_56], %swap3A_59 {strides = array<i32>} : memref<1x1x512x1024xf32, #tpu.memory_space<vmem>>, vector<1x1x512x1024xf32>,
      %swap3A_60 = arith.constant 0 : index
      %swap3A_61 = arith.constant 0 : index
      %swap3A_62 = vector.load %arg4[%swap3A_60, %swap3A_61] : memref<512x1024xf32, #tpu.memory_space<vmem>>, vector<512x1024xf32>
      tpu.vector_store %arg4[%swap3A_60, %swap3A_61], %max3A {strides = array<i32>} : memref<512x1024xf32, #tpu.memory_space<vmem>>, vector<512x1024xf32>,
    } else {
    }
    %eq3A_31 = arith.constant 10 : i32
    %eq3A_32 = arith.cmpi eq, %arg1, %eq3A_31 : i32
    %convert_element_type3A_33 = arith.extui %eq3A_32 : i1 to i32
    %cond3A_34 = arith.constant 0 : i32
    %cond3A_35 = arith.cmpi ne, %convert_element_type3A_33, %cond3A_34 : i32
    scf.if %cond3A_35 {
      %get3A = arith.constant 0 : index
      %get3A_51 = arith.constant 0 : index
      %get3A_52 = vector.load %arg4[%get3A, %get3A_51] : memref<512x1024xf32, #tpu.memory_space<vmem>>, vector<512x1024xf32>
      %slice3A = vector.extract_strided_slice %get3A_52 {offsets = [32, 0], sizes = [480, 1024], strides = [1, 1]} : vector<512x1024xf32> to vector<480x1024xf32>
      %broadcast_in_dim3A = arith.constant -3.40282347E+38 : f32
      %broadcast_in_dim3A_53 = vector.broadcast %broadcast_in_dim3A : f32 to vector<32x1024xf32>
      %concatenate3A = tpu.concatenate %slice3A, %broadcast_in_dim3A_53 in 0 : vector<480x1024xf32>, vector<32x1024xf32> -> vector<512x1024xf32>
      %max3A = arith.maximumf %get3A_52, %concatenate3A : vector<512x1024xf32>
      %swap3A = arith.constant 0 : index
      %swap3A_54 = arith.constant 0 : index
      %swap3A_55 = arith.constant 0 : index
      %swap3A_56 = arith.constant 0 : index
      %swap3A_57 = vector.load %arg3[%swap3A, %swap3A_54, %swap3A_55, %swap3A_56] : memref<1x1x512x1024xf32, #tpu.memory_space<vmem>>, vector<1x1x512x1024xf32>
      %swap3A_58 = vector.shape_cast %swap3A_57 : vector<1x1x512x1024xf32> to vector<512x1024xf32>
      %swap3A_59 = vector.shape_cast %max3A : vector<512x1024xf32> to vector<1x1x512x1024xf32>
      tpu.vector_store %arg3[%swap3A, %swap3A_54, %swap3A_55, %swap3A_56], %swap3A_59 {strides = array<i32>} : memref<1x1x512x1024xf32, #tpu.memory_space<vmem>>, vector<1x1x512x1024xf32>,
      %swap3A_60 = arith.constant 0 : index
      %swap3A_61 = arith.constant 0 : index
      %swap3A_62 = vector.load %arg4[%swap3A_60, %swap3A_61] : memref<512x1024xf32, #tpu.memory_space<vmem>>, vector<512x1024xf32>
      tpu.vector_store %arg4[%swap3A_60, %swap3A_61], %max3A {strides = array<i32>} : memref<512x1024xf32, #tpu.memory_space<vmem>>, vector<512x1024xf32>,
    } else {
    }
    %eq3A_36 = arith.constant 11 : i32
    %eq3A_37 = arith.cmpi eq, %arg1, %eq3A_36 : i32
    %convert_element_type3A_38 = arith.extui %eq3A_37 : i1 to i32
    %cond3A_39 = arith.constant 0 : i32
    %cond3A_40 = arith.cmpi ne, %convert_element_type3A_38, %cond3A_39 : i32
    scf.if %cond3A_40 {
      %get3A = arith.constant 0 : index
      %get3A_51 = arith.constant 0 : index
      %get3A_52 = vector.load %arg4[%get3A, %get3A_51] : memref<512x1024xf32, #tpu.memory_space<vmem>>, vector<512x1024xf32>
      %slice3A = vector.extract_strided_slice %get3A_52 {offsets = [64, 0], sizes = [448, 1024], strides = [1, 1]} : vector<512x1024xf32> to vector<448x1024xf32>
      %broadcast_in_dim3A = arith.constant -3.40282347E+38 : f32
      %broadcast_in_dim3A_53 = vector.broadcast %broadcast_in_dim3A : f32 to vector<64x1024xf32>
      %concatenate3A = tpu.concatenate %slice3A, %broadcast_in_dim3A_53 in 0 : vector<448x1024xf32>, vector<64x1024xf32> -> vector<512x1024xf32>
      %max3A = arith.maximumf %get3A_52, %concatenate3A : vector<512x1024xf32>
      %swap3A = arith.constant 0 : index
      %swap3A_54 = arith.constant 0 : index
      %swap3A_55 = arith.constant 0 : index
      %swap3A_56 = arith.constant 0 : index
      %swap3A_57 = vector.load %arg3[%swap3A, %swap3A_54, %swap3A_55, %swap3A_56] : memref<1x1x512x1024xf32, #tpu.memory_space<vmem>>, vector<1x1x512x1024xf32>
      %swap3A_58 = vector.shape_cast %swap3A_57 : vector<1x1x512x1024xf32> to vector<512x1024xf32>
      %swap3A_59 = vector.shape_cast %max3A : vector<512x1024xf32> to vector<1x1x512x1024xf32>
      tpu.vector_store %arg3[%swap3A, %swap3A_54, %swap3A_55, %swap3A_56], %swap3A_59 {strides = array<i32>} : memref<1x1x512x1024xf32, #tpu.memory_space<vmem>>, vector<1x1x512x1024xf32>,
      %swap3A_60 = arith.constant 0 : index
      %swap3A_61 = arith.constant 0 : index
      %swap3A_62 = vector.load %arg4[%swap3A_60, %swap3A_61] : memref<512x1024xf32, #tpu.memory_space<vmem>>, vector<512x1024xf32>
      tpu.vector_store %arg4[%swap3A_60, %swap3A_61], %max3A {strides = array<i32>} : memref<512x1024xf32, #tpu.memory_space<vmem>>, vector<512x1024xf32>,
    } else {
    }
    %eq3A_41 = arith.constant 12 : i32
    %eq3A_42 = arith.cmpi eq, %arg1, %eq3A_41 : i32
    %convert_element_type3A_43 = arith.extui %eq3A_42 : i1 to i32
    %cond3A_44 = arith.constant 0 : i32
    %cond3A_45 = arith.cmpi ne, %convert_element_type3A_43, %cond3A_44 : i32
    scf.if %cond3A_45 {
      %get3A = arith.constant 0 : index
      %get3A_51 = arith.constant 0 : index
      %get3A_52 = vector.load %arg4[%get3A, %get3A_51] : memref<512x1024xf32, #tpu.memory_space<vmem>>, vector<512x1024xf32>
      %slice3A = vector.extract_strided_slice %get3A_52 {offsets = [128, 0], sizes = [384, 1024], strides = [1, 1]} : vector<512x1024xf32> to vector<384x1024xf32>
      %broadcast_in_dim3A = arith.constant -3.40282347E+38 : f32
      %broadcast_in_dim3A_53 = vector.broadcast %broadcast_in_dim3A : f32 to vector<128x1024xf32>
      %concatenate3A = tpu.concatenate %slice3A, %broadcast_in_dim3A_53 in 0 : vector<384x1024xf32>, vector<128x1024xf32> -> vector<512x1024xf32>
      %max3A = arith.maximumf %get3A_52, %concatenate3A : vector<512x1024xf32>
      %swap3A = arith.constant 0 : index
      %swap3A_54 = arith.constant 0 : index
      %swap3A_55 = arith.constant 0 : index
      %swap3A_56 = arith.constant 0 : index
      %swap3A_57 = vector.load %arg3[%swap3A, %swap3A_54, %swap3A_55, %swap3A_56] : memref<1x1x512x1024xf32, #tpu.memory_space<vmem>>, vector<1x1x512x1024xf32>
      %swap3A_58 = vector.shape_cast %swap3A_57 : vector<1x1x512x1024xf32> to vector<512x1024xf32>
      %swap3A_59 = vector.shape_cast %max3A : vector<512x1024xf32> to vector<1x1x512x1024xf32>
      tpu.vector_store %arg3[%swap3A, %swap3A_54, %swap3A_55, %swap3A_56], %swap3A_59 {strides = array<i32>} : memref<1x1x512x1024xf32, #tpu.memory_space<vmem>>, vector<1x1x512x1024xf32>,
      %swap3A_60 = arith.constant 0 : index
      %swap3A_61 = arith.constant 0 : index
      %swap3A_62 = vector.load %arg4[%swap3A_60, %swap3A_61] : memref<512x1024xf32, #tpu.memory_space<vmem>>, vector<512x1024xf32>
      tpu.vector_store %arg4[%swap3A_60, %swap3A_61], %max3A {strides = array<i32>} : memref<512x1024xf32, #tpu.memory_space<vmem>>, vector<512x1024xf32>,
    } else {
    }
    %eq3A_46 = arith.constant 13 : i32
    %eq3A_47 = arith.cmpi eq, %arg1, %eq3A_46 : i32
    %convert_element_type3A_48 = arith.extui %eq3A_47 : i1 to i32
    %cond3A_49 = arith.constant 0 : i32
    %cond3A_50 = arith.cmpi ne, %convert_element_type3A_48, %cond3A_49 : i32
    scf.if %cond3A_50 {
      %get3A = arith.constant 0 : index
      %get3A_51 = arith.constant 0 : index
      %get3A_52 = vector.load %arg4[%get3A, %get3A_51] : memref<512x1024xf32, #tpu.memory_space<vmem>>, vector<512x1024xf32>
      %slice3A = vector.extract_strided_slice %get3A_52 {offsets = [256, 0], sizes = [256, 1024], strides = [1, 1]} : vector<512x1024xf32> to vector<256x1024xf32>
      %broadcast_in_dim3A = arith.constant -3.40282347E+38 : f32
      %broadcast_in_dim3A_53 = vector.broadcast %broadcast_in_dim3A : f32 to vector<256x1024xf32>
      %concatenate3A = tpu.concatenate %slice3A, %broadcast_in_dim3A_53 in 0 : vector<256x1024xf32>, vector<256x1024xf32> -> vector<512x1024xf32>
      %max3A = arith.maximumf %get3A_52, %concatenate3A : vector<512x1024xf32>
      %swap3A = arith.constant 0 : index
      %swap3A_54 = arith.constant 0 : index
      %swap3A_55 = arith.constant 0 : index
      %swap3A_56 = arith.constant 0 : index
      %swap3A_57 = vector.load %arg3[%swap3A, %swap3A_54, %swap3A_55, %swap3A_56] : memref<1x1x512x1024xf32, #tpu.memory_space<vmem>>, vector<1x1x512x1024xf32>
      %swap3A_58 = vector.shape_cast %swap3A_57 : vector<1x1x512x1024xf32> to vector<512x1024xf32>
      %swap3A_59 = vector.shape_cast %max3A : vector<512x1024xf32> to vector<1x1x512x1024xf32>
      tpu.vector_store %arg3[%swap3A, %swap3A_54, %swap3A_55, %swap3A_56], %swap3A_59 {strides = array<i32>} : memref<1x1x512x1024xf32, #tpu.memory_space<vmem>>, vector<1x1x512x1024xf32>,
      %swap3A_60 = arith.constant 0 : index
      %swap3A_61 = arith.constant 0 : index
      %swap3A_62 = vector.load %arg4[%swap3A_60, %swap3A_61] : memref<512x1024xf32, #tpu.memory_space<vmem>>, vector<512x1024xf32>
      tpu.vector_store %arg4[%swap3A_60, %swap3A_61], %max3A {strides = array<i32>} : memref<512x1024xf32, #tpu.memory_space<vmem>>, vector<512x1024xf32>,
    } else {
    }
    return
  }
  func.func @transform_0(%arg0: i32, %arg1: i32) -> (i32, i32, i32, i32) {
    %min3A = arith.constant 3 : i32
    %min3A_0 = arith.minsi %arg1, %min3A : i32
    %c0_i32 = arith.constant 0 : i32
    %c0_i32_1 = arith.constant 0 : i32
    %c0_i32_2 = arith.constant 0 : i32
    return %arg0, %min3A_0, %c0_i32, %c0_i32_1 : i32, i32, i32, i32
  }
  func.func @transform_1(%arg0: i32, %arg1: i32) -> (i32, i32, i32, i32) {
    %sub3A = arith.constant 4 : i32
    %sub3A_0 = arith.subi %arg1, %sub3A : i32
    %jit3A = arith.constant 0 : i32
    %jit3A_1 = arith.constant 9 : i32
    %max3A = arith.maxsi %jit3A, %sub3A_0 : i32
    %min3A = arith.minsi %jit3A_1, %max3A : i32
    %c0_i32 = arith.constant 0 : i32
    %c0_i32_2 = arith.constant 0 : i32
    %c0_i32_3 = arith.constant 0 : i32
    return %arg0, %min3A, %c0_i32, %c0_i32_2 : i32, i32, i32, i32
  }
}

</mosaic_0001>

<sc_bundles>
// kernel: kernel.4.cloned.1.call-start
scs
__scs_entry_jumppad:
0x0: {  	(pc) =	sbr.rel $0x88, $3  }
0x1: {  	(tag) =	ssettag $0x0;
	lr =	simm.s32 $0x1  }
0x2: {  	[smem:$0x3F9F] =	sst lr;
	_ =	strace $0xD0000000  }
0x3: {  	_ = 	snop  }
0x4: {  	_ = 	snop  }
0x5: {  	_ = 	snop  }
0x6: {  	_ = 	snop  }
0x7: {  	_ = 	snop  }
__scs_overlays_trampoline_lowered:
0x8: {  	[smem:$0x3FAE] =	sst s0  }
0x9: {  	[smem:$0x3FAF] =	sst s1  }
0xa: {  	[smem:$0x3FB0] =	sst s2  }
0xb: {  	[smem:$0x3FB1] =	sst s3  }
0xc: {  	[smem:$0x3FB2] =	sst s4  }
0xd: {  	[smem:$0x3FB3] =	sst s5  }
0xe: {  	[smem:$0x3FB4] =	sst s6  }
0xf: {  	[smem:$0x3FB5] =	sst s7  }
0x10: {  	[smem:$0x3FB6] =	sst s8  }
0x11: {  	[smem:$0x3FB7] =	sst s9;
	s0 =	simm.s32 @!p0 $0x0  }
0x12: {  	s1 =	sld [smem:$0x3F9D];
	s0 =	simm.s32 @p0 $0x1  }
0x13: {  	[smem:$0x3FB8] =	sst s0;
	s0 =	simm.s32 @!p1 $0x0  }
0x14: {  	s2 =	sld [smem:$0x3F9C];
	s0 =	simm.s32 @p1 $0x1  }
0x15: {  	[smem:$0x3FB9] =	sst s0;
	s0 =	simm.s32 @!p2 $0x0  }
0x16: {  	s3 =	sld [smem:$0x3FDB];
	s0 =	simm.s32 @p2 $0x1  }
0x17: {  	s4 =	simm.s32 $0x1BF5;
	[smem:$0x3FBB] =	sst s0  }
0x18: {  	s0 =	sld [smem:$0x3F9E];
	_ =	swait.ge [sflag:s4], $0x0  }
0x19: {  	s7 =	sld [smem:$0x3F9F]  }
0x1a: {  	s8 =	sadd.s32 $0xFFFFE003, lr  }
0x1b: {  	s9 =	sadd.s32 $0xFFFFFEF7, lr;
	s5 =	simm.s32 $0xFFFFFFFF;
	p2 =	slt.u32 s8, $0xFFFFF086  }
0x1c: {  	p1 =	slt.u32 s9, $0xF7A;
	s5 =	simm.s32 @!p2 $0x0  }
0x1d: {  	s5 =	simm.s32 @p1 $0x1;
	p0 =	seq.s32 s7, s2  }
0x1e: {  	s7 =	smul.u32 @!p0 $0xF7A, s2;
	p2 =	seq.s32 @!p0 s5, $0x0  }
0x1f: {  	s9 =	smul.u32 $0xF7A, s1;
	s8 =	simm.s32 @!p0 $0x1BF5;
	p2 =	por !p2, p0  }
0x20: {  	[sflag:s8] =	ssyncset.s32 @!p0 $0xFFFFF086;
	s6 =	sadd.s32 @!p0 s3, s7;
	s7 =	simm.s32 @!p0 $0x108  }
0x21: {  	s3 =	sadd.s32 s3, s9;
	s6 =	sadd.s32 @!p0 $0x88, s6;
	s7 =	simm.s32 @p2 $0x1082  }
0x22: {  	[simem:s7], [sflag:s8] =	dma.local @!p0 [hbm:s6], $0xF7A  }
0x23: {  	s9 =	sor.u32 $0xD0000000, s2;
	s6 =	simm.s32 $0x108;
	_ =	swait.ge @!p0 [sflag:s8], $0x0  }
0x24: {  	s3 =	sadd.s32 $0x88, s3;
	s6 =	simm.s32 @!p1 $0x1082;
	[sflag:s4] =	ssyncset.s32 $0xFFFFF086  }
0x25: {  	[simem:s6], [sflag:s4] =	dma.local [hbm:s3], $0xF7A  }
0x26: {  	[smem:$0x3F9F] =	sst s1;
	(tag) =	ssettag s2;
	_ =	strace s9  }
0x27: {  	s1 =	sld [smem:$0x3FAF]  }
0x28: {  	s2 =	sld [smem:$0x3FB0]  }
0x29: {  	s4 =	sld [smem:$0x3FB2]  }
0x2a: {  	p0 =	seq.s32 s5, $0x0;
	s5 =	sld [smem:$0x3FB3]  }
0x2b: {  	s6 =	sld [smem:$0x3FB4]  }
0x2c: {  	s7 =	sld [smem:$0x3FB5]  }
0x2d: {  	s3 =	simm.s32 $0x108;
	s8 =	sld [smem:$0x3FB6]  }
0x2e: {  	s3 =	simm.s32 @!p0 $0x1082;
	s9 =	sld [smem:$0x3FB7]  }
0x2f: {  	lr =	sadd.s32 s0, s3;
	s0 =	sld [smem:$0x3FAE]  }
0x30: {  	s3 =	sld [smem:$0x3FB1]  }
0x31: {  	[smem:$0x3FBA] =	sst s10  }
0x32: {  	s10 =	sld [smem:$0x3FB8];
	_ =	sdelay $0x3  }
0x33: {  	p0 =	seq.s32 s10, $0x1;
	s10 =	sld [smem:$0x3FBA];
	_ =	sdelay $0x3  }
0x34: {  	[smem:$0x3FBA] =	sst s10  }
0x35: {  	s10 =	sld [smem:$0x3FB9];
	_ =	sdelay $0x3  }
0x36: {  	p1 =	seq.s32 s10, $0x1;
	s10 =	sld [smem:$0x3FBA];
	_ =	sdelay $0x3  }
0x37: {  	[smem:$0x3FBA] =	sst s10  }
0x38: {  	s10 =	sld [smem:$0x3FBB]  }
0x39: {  	_ = 	snop;
	(pc) =	sbr.ind lr, $3  }
0x3a: {  	_ = 	snop  }
0x3b: {  	_ = 	snop  }
0x3c: {  	p2 =	seq.s32 s10, $0x1;
	s10 =	sld [smem:$0x3FBA]  }
0x3d: {  	_ =	shalt  }
0x3e: {  	_ =	shalt  }
0x3f: {  	_ =	shalt  }
0x40: {  	_ =	shalt  }
0x41: {  	_ =	shalt  }
0x42: {  	_ =	shalt  }
0x43: {  	_ =	shalt  }
0x44: {  	_ =	shalt  }
0x45: {  	_ =	shalt  }
0x46: {  	_ =	shalt  }
0x47: {  	_ =	shalt  }
0x48: {  	_ =	shalt  }
0x49: {  	_ =	shalt  }
0x4a: {  	_ =	shalt  }
0x4b: {  	_ =	shalt  }
0x4c: {  	_ =	shalt  }
0x4d: {  	_ =	shalt  }
0x4e: {  	_ =	shalt  }
0x4f: {  	_ =	shalt  }
0x50: {  	_ =	shalt  }
0x51: {  	_ =	shalt  }
0x52: {  	_ =	shalt  }
0x53: {  	_ =	shalt  }
0x54: {  	_ =	shalt  }
0x55: {  	_ =	shalt  }
0x56: {  	_ =	shalt  }
0x57: {  	_ =	shalt  }
0x58: {  	_ =	shalt  }
0x59: {  	_ =	shalt  }
0x5a: {  	_ =	shalt  }
0x5b: {  	_ =	shalt  }
0x5c: {  	_ =	shalt  }
0x5d: {  	_ =	shalt  }
0x5e: {  	_ =	shalt  }
0x5f: {  	_ =	shalt  }
0x60: {  	_ =	shalt  }
0x61: {  	_ =	shalt  }
0x62: {  	_ =	shalt  }
0x63: {  	_ =	shalt  }
0x64: {  	_ =	shalt  }
0x65: {  	_ =	shalt  }
0x66: {  	_ =	shalt  }
0x67: {  	_ =	shalt  }
0x68: {  	_ =	shalt  }
0x69: {  	_ =	shalt  }
0x6a: {  	_ =	shalt  }
0x6b: {  	_ =	shalt  }
0x6c: {  	_ =	shalt  }
0x6d: {  	_ =	shalt  }
0x6e: {  	_ =	shalt  }
0x6f: {  	_ =	shalt  }
0x70: {  	_ =	shalt  }
0x71: {  	_ =	shalt  }
0x72: {  	_ =	shalt  }
0x73: {  	_ =	shalt  }
0x74: {  	_ =	shalt  }
0x75: {  	_ =	shalt  }
0x76: {  	_ =	shalt  }
0x77: {  	_ =	shalt  }
0x78: {  	_ =	shalt  }
0x79: {  	_ =	shalt  }
0x7a: {  	_ =	shalt  }
0x7b: {  	_ =	shalt  }
0x7c: {  	_ =	shalt  }
0x7d: {  	_ =	shalt  }
0x7e: {  	_ =	shalt  }
0x7f: {  	_ =	shalt  }
0x80: {  	_ =	shalt  }
0x81: {  	_ =	shalt  }
0x82: {  	_ =	shalt  }
0x83: {  	_ =	shalt  }
0x84: {  	_ =	shalt  }
0x85: {  	_ =	shalt  }
0x86: {  	_ =	shalt  }
0x87: {  	_ =	shalt  }
.Lfunc_end0:
.L_simem_size_0:
called_computation_lowered:
.L_overlay_start_0:
0x88: {  	s2 =	sld [smem:$0x3FD9]  }
0x89: {  	s3 =	sld [smem:$0x3FFE];
	_ =	sdelay $0x1  }
0x8a: {  	s1 =	srdreg.scid  }
0x8b: {  	s0 =	sand.u32 $0x1, s1  }
0x8c: {  	s17 =	sshll.u32 s0, $0xA;
	s2 =	sadd.s32 s3, s2  }
0x8d: {  	s2 =	sadd.s32 s2, s17  }
0x8e: {  	[smem:$0x3FC6] =	sst s2  }
0x8f: {  	_ = 	snop  }
0x90: {  	s2 =	sld [smem:$0x3FC9]  }
0x91: {  	s18 =	sld [smem:$0x3FD0];
	(tm) =	ssettm $0x1  }
0x92: {  	s4 =	sld [smem:$0x3FFB];
	_ =	sdelay $0x3  }
0x93: {  	_ =	strace s4  }
0x94: {  	s4 =	sld [smem:$0x3FFC];
	_ =	sdelay $0x3  }
0x95: {  	_ =	strace s4  }
0x96: {  	s4 =	sld [smem:$0x3FFD];
	_ =	sdelay $0x3  }
0x97: {  	_ =	strace s4  }
0x98: {  	_ =	strace $0x8FFFFFFF  }
0x99: {  	s19 =	sld [smem:$0x3FDB];
	_ =	sdelay $0x1  }
0x9a: {  	s5 =	simm.s32 $_scs_section_size  }
0x9b: {  	s6 =	simm.s32 $_size__tile_overlayer_lowered;
	s7 =	simm.s32 $_tile_overlayer_lowered  }
0x9c: {  	s22 =	simm.s32 $0x1BFF;
	s21 =	sshll.u32 s7, $0x1;
	s4 =	sadd.s32 s5, s19  }
0x9d: {  	s8 =	simm.s32 $0x0;
	s20 =	sshll.u32 s6, $0x1;
	s6 =	sadd.s32 s21, s4  }
0x9e: {  	[timem:s8], [sflag:s22] =	dma.local [hbm:s6], s20  }
0x9f: {  	_ =	swait.ge [sflag:s22], s20  }
0xa0: {  	s5 =	ssub.s32 $0x0, s20;
	[sflag:s22] =	ssyncset.done $0x0  }
0xa1: {  	[sflag:s22] =	ssyncadd.s32 s5;
	_ =	sdelay $0x1  }
0xa2: {  	s23 =	simm.s32 $0x1B8B  }
0xa3: {  	_ =	swait.ge [sflag:s23], $0x1  }
0xa4: {  	[sflag:s23] =	ssyncset.done $0x0  }
0xa5: {  	s25 =	simm.s32 $0x1B8E;
	s24 =	sld [smem:$0x3FFE];
	[sflag:s23] =	ssyncadd.s32 $0xFFFFFFFF  }
0xa6: {  	s26 =	simm.s32 $execute0_lowered;
	[smem:$0x3FD2] =	sst s25  }
0xa7: {  	s6 =	sshll.u32 s26, $0x1;
	_ =	strace $0x80000046;
	[dreg:$0x1] =	wrdreg $0xFFFFFFFF  }
0xa8: {  	s28 =	simm.s32 $_size_execute0_lowered;
	s4 =	sadd.s32 s4, s6;
	[dreg:$0x0] =	wrdreg $0x0  }
0xa9: {  	s6 =	sshll.u32 s28, $0x1;
	[dreg:$0x2] =	wrdreg s4  }
0xaa: {  	[dreg:$0x3] =	wrdreg s6  }
0xab: {  	[dreg:$0x4] =	wrdreg $0xC0  }
0xac: {  	_ =	task [dreg:s8], $0x5FFFF  }
0xad: {  	[dreg:$0x1] =	wrdreg $0xFFFFFFFF  }
0xae: {  	[dreg:$0x0] =	wrdreg $0x60  }
0xaf: {  	[dreg:$0x2] =	wrdreg s2  }
0xb0: {  	[dreg:$0x3] =	wrdreg s24  }
0xb1: {  	[dreg:$0x4] =	wrdreg s18  }
0xb2: {  	[dreg:$0x5] =	wrdreg $0x9  }
0xb3: {  	_ =	task.clear_ibuf [dreg:s8], $0x6FFFF;
	_ =	strace $0x90000046  }
0xb4: {  	s29 =	simm.s32 $0x9;
	_ =	strace $0x80000048  }
0xb5: {  	_ =	swait.ge [sflag:s29], $0x1  }
0xb6: {  	[sflag:s29] =	ssyncadd.s32 $0xFFFFFFFF  }
0xb7: {  	_ =	strace $0x90000048  }
0xb8: {  	_ =	sfence  }
0xb9: {  	s30 =	sld [smem:$0x0];
	_ =	sdelay $0x2  }
0xba: {  	s31 =	sshll.u32 s1, $0xD;
	s1 =	sshrl.u32 s1, $0x2  }
0xbb: {  	s3 =	sand.u32 $0x4000, s31;
	s1 =	sadd.s32 s1, s30  }
0xbc: {  	s0 =	sor.u32 s3, s0;
	s1 =	sshll.u32 s1, $0x11  }
0xbd: {  	s0 =	sor.u32 s1, s0  }
0xbe: {  	s0 =	sadd.s32 $0x8F2B, s0  }
0xbf: {  	[sflag:s0] =	ssyncadd.remote.s32 $0x1  }
0xc0: {  	_ =	sfence.sel $0xFFFF  }
0xc1: {  	[dreg:$0x0] =	wrdreg $0xFFFFFFFF;
	(pc) =	sbr.abs _section_cstart, $3  }
0xc2: {  	[dreg:$0x1] =	wrdreg $0xFFFFFFFF  }
0xc3: {  	_ =	task.clear_ibuf [dreg:s8], $0x2FFFF;
	_ =	strace $0x9FFFFFFF  }
0xc4: {  	(tm) =	ssettm $0x7FFFFFFF  }
0xc5: {  	_ =	shalt  }
tec
execute0_lowered:
.L_overlay_start_1:
0x0: {  	(tag) =	ssettag $0x1  }
0x1: {  	s7 =	rddreg [dreg:$0x0]  }
0x2: {  	s0 =	rddreg [dreg:$0x1]  }
0x3: {  	s1 =	rddreg [dreg:$0x2]  }
0x4: {  	s2 =	srdreg.scid;
	s6 =	stileid.u32  }
0x5: {  	s8 =	simm.s32 $0x0;
	s2 =	sand.u32 $0x1, s2;
	s3 =	sshll.u32 s6, $0x6  }
0x6: {  	[smem:$0x7FF] =	sst s8;
	s23 =	sadd.s32 $0x800, s0;
	s6 =	sshrl.u32 s6, $0x2  }
0x7: {  	s28 =	sadd.s32 $0x100, s7;
	s29 =	sadd.s32 $0x200, s7;
	s30 =	sadd.s32 $0x300, s7  }
0x8: {  	s4 =	sshll.u32 s2, $0x5;
	_ =	strace $0x80000047;
	[dreg:$0x13] =	wrdreg s23  }
0x9: {  	s2 =	ssub.s32 $0x2, s2;
	s26 =	sshll.u32 s6, $0xC;
	[dreg:$0x16] =	wrdreg s28  }
0xa: {  	s6 =	smul.u32 $0x1400, s6;
	[dreg:$0x17] =	wrdreg s29;
	s3 =	sor.u32 s4, s3  }
0xb: {  	[dreg:$0x18] =	wrdreg s30;
	s25 =	sshrl.u32 s2, $0x1;
	s24 =	sshrl.u32 s3, $0x3  }
0xc: {  	v2 =	vimm.s32 $0x0;
	v3 =	vimm.s32 $0xFFFFFFFF;
	s3 =	sshll.u32 s3, $0x7;
	s2 =	ssub.s32 s2, s25;
	s1 =	sadd.s32 s1, s24  }
0xd: {  	v4 =	vlaneseq.u32;
	vm0 =	vmmov $0x1;
	vm1 =	vmmov $0xffff;
	s5 =	sadd.s32 s24, s0;
	s31 =	smax.u32 s2, $0x1;
	[dreg:$0x15] =	wrdreg s1  }
0xe: {  	v5 =	vand.u32 $0x7, v4;
	v6 =	vshrl.u32 v4, $0x3;
	v9 =	vshrl.u32 v4, $0x1;
	s0 =	sadd.s32 s3, s0;
	s5 =	sadd.s32 $0x600, s5;
	[dreg:$0x1a] =	wrdreg s31  }
0xf: {  	v7 =	vor.u32 $0x8, v4;
	v8 =	vand.u32 $0x1, v4;
	v6 =	vmul.u32 $0x8, v6;
	s0 =	sadd.s32 $0x280800, s0;
	[dreg:$0x14] =	wrdreg s5  }
0x10: {  	v9 =	vmul.u32 $0x8, v9;
	v1 =	vmov s26;
	v0 =	vmov s6;
	s2 =	simm.s32 $0x0;
	s1 =	simm.s32 $0x1;
	[dreg:$0x19] =	wrdreg s0  }
.LBB2_1:
0x11: {  	[dreg:$0x1b] =	wrdreg s2  }
0x12: {  	s0 =	rddreg [dreg:$0x14]  }
0x13: {  	[tilespmem:s8], [sflag:$0x1] =	stream.linear.gather [hbm4b:s0+s8], $0x20, $0x38;
	[tilespmem:$0x11200] =	vst v63  }
0x14: {  	_ =	swait.ge [sflag:s1], $0x20  }
0x15: {  	[sflag:s1] =	ssyncset.done $0x0  }
0x16: {  	s31 =	simm.s32 $0x80;
	s30 =	rddreg [dreg:$0x15];
	[sflag:s1] =	ssyncadd.s32 $0xFFFFFFE0  }
0x17: {  	[tilespmem:s31], [sflag:$0x1] =	stream.linear.gather [hbm4b:s30+s8], $0x20, $0x38;
	[tilespmem:$0x11200] =	vst v63  }
0x18: {  	_ =	swait.ge [sflag:s1], $0x20  }
0x19: {  	[sflag:s1] =	ssyncset.done $0x0  }
0x1a: {  	s11 =	simm.s32 $0x0;
	[sflag:s1] =	ssyncadd.s32 $0xFFFFFFE0  }
.LBB2_2:
0x1b: {  	s0 =	sshll.u32 s11, $0x1  }
0x1c: {  	s1 =	sand.u32 $0x10, s0  }
0x1d: {  	v10 =	vld [tilespmem:s1+$0x0]  }
0x1e: {  	v11 =	vld [tilespmem:s1+$0x80];
	_ =	sdelay $0x1  }
0x1f: {  	s0 =	sand.u32 $0xE, s0  }
0x20: {  	v12 =	vmov s0  }
0x21: {  	v15 =	vperm.xlane v10, v12  }
0x22: {  	v16 =	vperm.xlane v11, v12  }
0x23: {  	v10 =	vadd.s32 $0x7, v15  }
0x24: {  	v12 =	vshra.s32 v16, $0x3;
	v11 =	vshra.s32 v10, $0x3  }
0x25: {  	v13 =	vsub.s32 v12, v11  }
0x26: {  	v18 =	vand.u32 $0xFFFFFFF8, v16;
	v10 =	vand.u32 $0xFFFFFFF8, v10;
	vm2 =	vgt.s32 v13, $0x1  }
0x27: {  	vm3 =	vgt.s32 v13, $0x3;
	vm4 =	vgt.s32 v13, $0x3F;
	v14 =	vsel vm2, $0x1, v2  }
0x28: {  	v17 =	vsel vm3, $0x1, v2;
	vm2 =	vgt.s32 v13, $0x7;
	vm3 =	vgt.s32 v15, v18  }
0x29: {  	v14 =	vadd.s32 v17, v14;
	v17 =	vsel vm2, $0x1, v2;
	vm2 =	vgt.s32 v13, $0xF  }
0x2a: {  	v14 =	vadd.s32 v17, v14;
	v17 =	vsel vm2, $0x1, v2;
	vm2 =	vgt.s32 v13, $0x1F  }
0x2b: {  	v14 =	vadd.s32 v17, v14;
	v17 =	vsel vm2, $0x1, v2;
	vm2 =	vlt.s32 v16, v10  }
0x2c: {  	v14 =	vadd.s32 v17, v14;
	v10 =	vsel vm2, v16, v10;
	v17 =	vsel vm3, v15, v18  }
0x2d: {  	v18 =	vsel vm4, $0x1, v2;
	v10 =	vsub.s32 v10, v15;
	v19 =	vsub.s32 v16, v17  }
0x2e: {  	v14 =	vadd.s32 v18, v14;
	v18 =	vadd.s32 v10, v19;
	v17 =	vsub.s32 v17, v10  }
0x2f: {  	vm2 =	vgt.s32 v13, $0x7F;
	vm3 =	vgt.s32 v18, v4;
	v17 =	vadd.s32 v4, v17  }
0x30: {  	vm11 =	vgt.s32 v10, v4;
	v10 =	vadd.s32 v4, v15;
	v17 =	vsel vm3, v17, v15  }
0x31: {  	v18 =	vsel vm2, $0x1, v2;
	vm2 =	vgt.s32 v13, $0xFF;
	v10 =	vsel vm11, v10, v17  }
0x32: {  	v14 =	vadd.s32 v18, v14;
	v17 =	vsel vm2, $0x1, v2;
	v18 =	vadd.s32 v1, v10  }
0x33: {  	vm2 =	vgt.s32 v13, $0x1FF;
	v14 =	vadd.s32 v17, v14;
	v13 =	vshll.u32 v18, $0x3  }
0x34: {  	v17 =	vsel vm2, $0x1, v2;
	v10 =	vand.u32 $0x7, v10;
	v13 =	vand.u32 $0xFFFFFFC0, v13  }
0x35: {  	v14 =	vadd.s32 v17, v14;
	v10 =	vor.u32 v10, v13  }
0x36: {  	v13 =	vshll.u32 v14, $0x9;
	v17 =	vperm.xlane v10, v5  }
0x37: {  	vm2 =	vgt.s32 v12, v11;
	v14 =	vshll.u32 v3, v14;
	v12 =	vadd.s32 v12, v13  }
0x38: {  	v11 =	vadd.s32 v11, v13;
	v12 =	vadd.s32 v14, v12;
	v13 =	vadd.s32 v6, v17  }
0x39: {  	v11 =	vnsel vm2, $0x0, v11;
	v12 =	vnsel vm2, $0x0, v12  }
0x3a: {  	v11 =	vadd.s32 v0, v11;
	v12 =	vadd.s32 v0, v12  }
0x3b: {  	v11 =	vsel vm0, v11, v12  }
0x3c: {  	s3 =	rddreg [dreg:$0x0];
	s2 =	simm.s32 $0x100;
	s0 =	simm.s32 $0x0;
	[tilespmem:$0x9100] =	vst v11  }
0x3d: {  	[tilespmem:s2], [sflag:$0x2] =	stream.indirect_vreg.gather [hbm4b:s3+s0], $0x80, v13, vm1, $0xb8;
	[tilespmem:$0x11200] =	vst v63  }
0x3e: {  	s5 =	rddreg [dreg:$0x16];
	s9 =	simm.s32 $0x900;
	v10 =	vperm.xlane v10, v7  }
0x3f: {  	[tilespmem:s9], [sflag:$0x2] =	stream.indirect_vreg.gather [hbm4b:s5+s0], $0x80, v13, vm1, $0xb8;
	[tilespmem:$0x11200] =	vst v63  }
0x40: {  	s6 =	rddreg [dreg:$0x17];
	s10 =	simm.s32 $0x1100;
	v10 =	vadd.s32 v6, v10  }
0x41: {  	[tilespmem:s10], [sflag:$0x2] =	stream.indirect_vreg.gather [hbm4b:s6+s0], $0x80, v13, vm1, $0xb8;
	[tilespmem:$0x11200] =	vst v63  }
0x42: {  	s7 =	rddreg [dreg:$0x18];
	s12 =	simm.s32 $0x1900  }
0x43: {  	[tilespmem:s12], [sflag:$0x2] =	stream.indirect_vreg.gather [hbm4b:s7+s0], $0x80, v13, vm1, $0xb8;
	[tilespmem:$0x11200] =	vst v63  }
0x44: {  	s13 =	simm.s32 $0x2100  }
0x45: {  	[tilespmem:s13], [sflag:$0x2] =	stream.indirect_vreg.gather [hbm4b:s3+s0], $0x80, v10, vm1, $0xb8;
	[tilespmem:$0x11200] =	vst v63  }
0x46: {  	s14 =	simm.s32 $0x2900  }
0x47: {  	[tilespmem:s14], [sflag:$0x2] =	stream.indirect_vreg.gather [hbm4b:s5+s0], $0x80, v10, vm1, $0xb8;
	[tilespmem:$0x11200] =	vst v63  }
0x48: {  	s15 =	simm.s32 $0x3100  }
0x49: {  	[tilespmem:s15], [sflag:$0x2] =	stream.indirect_vreg.gather [hbm4b:s6+s0], $0x80, v10, vm1, $0xb8;
	[tilespmem:$0x11200] =	vst v63  }
0x4a: {  	s16 =	simm.s32 $0x3900  }
0x4b: {  	[tilespmem:s16], [sflag:$0x2] =	stream.indirect_vreg.gather [hbm4b:s7+s0], $0x80, v10, vm1, $0xb8;
	[tilespmem:$0x11200] =	vst v63  }
0x4c: {  	v10 =	vld.msk [tilespmem:$0x9100], $0x3;
	_ =	sdelay $0x4  }
0x4d: {  	v11 =	vshll.u32 v10, $0x3  }
0x4e: {  	v10 =	vand.u32 $0x7, v10;
	v11 =	vand.u32 $0xFFFFFFC0, v11  }
0x4f: {  	v10 =	vor.u32 v10, v11  }
0x50: {  	v10 =	vperm.xlane v10, v8;
	_ =	sdelay $0x1  }
0x51: {  	v10 =	vadd.s32 v9, v10;
	_ =	sdelay $0x3  }
0x52: {  	s8 =	sshllo.u32 s11, $0x1;
	s4 =	rddreg [dreg:$0x13];
	s17 =	simm.s32 $0x4100  }
0x53: {  	[tilespmem:s17], [sflag:$0x3] =	stream.indirect_vreg.gather [hbm4b:s4+s0], $0x80, v10, vm1, $0xb8;
	[tilespmem:$0x11200] =	vst v63  }
0x54: {  	s18 =	ssub.s32 s8, s1;
	v10 =	vld [tilespmem:s1+$0x0]  }
0x55: {  	v11 =	vmov s18;
	v12 =	vld [tilespmem:s1+$0x80]  }
0x56: {  	v11 =	vand.u32 $0xF, v11  }
0x57: {  	v11 =	vbroadcast v11, $0x0;
	_ =	sdelay $0x1  }
0x58: {  	v10 =	vperm.xlane v10, v11  }
0x59: {  	v11 =	vperm.xlane v12, v11  }
0x5a: {  	v13 =	vadd.s32 $0x7, v10  }
0x5b: {  	v17 =	vshra.s32 v11, $0x3;
	v14 =	vshra.s32 v13, $0x3  }
0x5c: {  	v12 =	vsub.s32 v17, v14  }
0x5d: {  	v20 =	vand.u32 $0xFFFFFFF8, v11;
	vm3 =	vgt.s32 v12, $0x1;
	vm12 =	vgt.s32 v12, $0x3  }
0x5e: {  	v18 =	vsel vm3, $0x1, v2;
	v19 =	vsel vm12, $0x1, v2;
	vm3 =	vgt.s32 v12, $0x7  }
0x5f: {  	v18 =	vadd.s32 v19, v18;
	v19 =	vsel vm3, $0x1, v2;
	vm3 =	vgt.s32 v12, $0xF  }
0x60: {  	v18 =	vadd.s32 v19, v18;
	v19 =	vsel vm3, $0x1, v2;
	vm3 =	vgt.s32 v12, $0x1F  }
0x61: {  	v13 =	vand.u32 $0xFFFFFFF8, v13;
	v18 =	vadd.s32 v19, v18;
	v19 =	vsel vm3, $0x1, v2  }
0x62: {  	vm13 =	vgt.s32 v10, v20;
	vm3 =	vlt.s32 v11, v13;
	v18 =	vadd.s32 v19, v18  }
0x63: {  	v13 =	vsel vm3, v11, v13;
	vm3 =	vgt.s32 v12, $0x3F;
	v19 =	vsel vm13, v10, v20  }
0x64: {  	v33 =	vsel vm3, $0x1, v2;
	v13 =	vsub.s32 v13, v10;
	v21 =	vsub.s32 v11, v19  }
0x65: {  	vm3 =	vgt.s32 v12, $0x7F;
	v34 =	vadd.s32 v13, v21;
	v19 =	vsub.s32 v19, v13  }
0x66: {  	v18 =	vadd.s32 v33, v18;
	vm14 =	vgt.s32 v34, v4;
	v19 =	vadd.s32 v4, v19  }
0x67: {  	vm15 =	vgt.s32 v13, v4;
	v13 =	vadd.s32 v4, v10;
	v19 =	vsel vm14, v19, v10  }
0x68: {  	v35 =	vsel vm3, $0x1, v2;
	vm3 =	vgt.s32 v12, $0xFF;
	v13 =	vsel vm15, v13, v19  }
0x69: {  	v18 =	vadd.s32 v35, v18;
	v19 =	vsel vm3, $0x1, v2;
	v36 =	vadd.s32 v1, v13  }
0x6a: {  	vm3 =	vgt.s32 v12, $0x1FF;
	v18 =	vadd.s32 v19, v18;
	v19 =	vshll.u32 v36, $0x3  }
0x6b: {  	v37 =	vsel vm3, $0x1, v2;
	v13 =	vand.u32 $0x7, v13;
	v19 =	vand.u32 $0xFFFFFFC0, v19  }
0x6c: {  	v18 =	vadd.s32 v37, v18;
	v13 =	vor.u32 v13, v19  }
0x6d: {  	v19 =	vshll.u32 v18, $0x9;
	v38 =	vperm.xlane v13, v5  }
0x6e: {  	vm3 =	vgt.s32 v17, v14;
	v18 =	vshll.u32 v3, v18;
	v17 =	vadd.s32 v17, v19  }
0x6f: {  	v14 =	vadd.s32 v14, v19;
	v17 =	vadd.s32 v18, v17;
	v18 =	vadd.s32 v6, v38  }
0x70: {  	v14 =	vnsel vm3, $0x0, v14;
	v17 =	vnsel vm3, $0x0, v17  }
0x71: {  	v14 =	vadd.s32 v0, v14;
	v17 =	vadd.s32 v0, v17  }
0x72: {  	v14 =	vsel vm0, v14, v17  }
0x73: {  	s19 =	simm.s32 $0x4900;
	[tilespmem:$0x9180] =	vst v14  }
0x74: {  	[tilespmem:s19], [sflag:$0x4] =	stream.indirect_vreg.gather [hbm4b:s3+s0], $0x80, v18, vm1, $0xb8;
	[tilespmem:$0x11200] =	vst v63  }
0x75: {  	s20 =	simm.s32 $0x5100;
	v13 =	vperm.xlane v13, v7  }
0x76: {  	[tilespmem:s20], [sflag:$0x4] =	stream.indirect_vreg.gather [hbm4b:s5+s0], $0x80, v18, vm1, $0xb8;
	[tilespmem:$0x11200] =	vst v63  }
0x77: {  	s21 =	simm.s32 $0x5900;
	v13 =	vadd.s32 v6, v13  }
0x78: {  	[tilespmem:s21], [sflag:$0x4] =	stream.indirect_vreg.gather [hbm4b:s6+s0], $0x80, v18, vm1, $0xb8;
	[tilespmem:$0x11200] =	vst v63  }
0x79: {  	s22 =	simm.s32 $0x6100  }
0x7a: {  	[tilespmem:s22], [sflag:$0x4] =	stream.indirect_vreg.gather [hbm4b:s7+s0], $0x80, v18, vm1, $0xb8;
	[tilespmem:$0x11200] =	vst v63  }
0x7b: {  	s23 =	simm.s32 $0x6900  }
0x7c: {  	[tilespmem:s23], [sflag:$0x4] =	stream.indirect_vreg.gather [hbm4b:s3+s0], $0x80, v13, vm1, $0xb8;
	[tilespmem:$0x11200] =	vst v63  }
0x7d: {  	s24 =	simm.s32 $0x7100  }
0x7e: {  	[tilespmem:s24], [sflag:$0x4] =	stream.indirect_vreg.gather [hbm4b:s5+s0], $0x80, v13, vm1, $0xb8;
	[tilespmem:$0x11200] =	vst v63  }
0x7f: {  	s25 =	simm.s32 $0x7900  }
0x80: {  	[tilespmem:s25], [sflag:$0x4] =	stream.indirect_vreg.gather [hbm4b:s6+s0], $0x80, v13, vm1, $0xb8;
	[tilespmem:$0x11200] =	vst v63  }
0x81: {  	s26 =	simm.s32 $0x8100  }
0x82: {  	[tilespmem:s26], [sflag:$0x4] =	stream.indirect_vreg.gather [hbm4b:s7+s0], $0x80, v13, vm1, $0xb8;
	[tilespmem:$0x11200] =	vst v63  }
0x83: {  	v13 =	vld.msk [tilespmem:$0x9180], $0x3;
	_ =	sdelay $0x4  }
0x84: {  	v14 =	vshll.u32 v13, $0x3  }
0x85: {  	v13 =	vand.u32 $0x7, v13;
	v14 =	vand.u32 $0xFFFFFFC0, v14  }
0x86: {  	v13 =	vor.u32 v13, v14  }
0x87: {  	v13 =	vperm.xlane v13, v8;
	_ =	sdelay $0x1  }
0x88: {  	v13 =	vadd.s32 v9, v13;
	_ =	sdelay $0x3  }
0x89: {  	s30 =	simm.s32 $0x8900;
	[dreg:$0x1d] =	wrdreg s8;
	s2 =	simm.s32 $0x2  }
0x8a: {  	[tilespmem:s30], [sflag:$0x5] =	stream.indirect_vreg.gather [hbm4b:s4+s0], $0x80, v13, vm1, $0xb8;
	[tilespmem:$0x11200] =	vst v63  }
0x8b: {  	_ =	swait.ge [sflag:s2], $0x4000  }
0x8c: {  	[sflag:s2] =	ssyncset.done $0x0  }
0x8d: {  	s3 =	simm.s32 $0x3;
	[sflag:s2] =	ssyncadd.s32 $0xFFFFC000  }
0x8e: {  	s4 =	sand.u32 $0x7FFFFC00, s0;
	_ =	swait.ge [sflag:s3], $0x800  }
0x8f: {  	s5 =	sand.u32 $0x60, s0;
	s6 =	sadd.s32 $0x2480, s4;
	[sflag:s3] =	ssyncset.done $0x0  }
0x90: {  	s0 =	sor.u32 s5, s6;
	s2 =	sadd.s32 $0x2400, s4;
	[sflag:s3] =	ssyncadd.s32 $0xFFFFF800  }
0x91: {  	s17 =	sadd.s32 $0x2300, s4;
	s16 =	sor.u32 s5, s2;
	v13 =	vld [tilespmem:s0+$0x0]  }
0x92: {  	s20 =	sadd.s32 $0x2200, s4;
	s9 =	sor.u32 s5, s17;
	v17 =	vld [tilespmem:s16+$0x0]  }
0x93: {  	s21 =	sadd.s32 $0x2180, s4;
	s12 =	sor.u32 s5, s20;
	v19 =	vld [tilespmem:s9+$0x0]  }
0x94: {  	s22 =	sadd.s32 $0x2100, s4;
	s23 =	sor.u32 s5, s21;
	v40 =	vld [tilespmem:s12+$0x0]  }
0x95: {  	s13 =	sor.u32 $0x100, s4;
	s24 =	sor.u32 s5, s22;
	v22 =	vld [tilespmem:s23+$0x0]  }
0x96: {  	s25 =	sor.u32 s5, s13;
	v23 =	vld [tilespmem:s24+$0x0]  }
0x97: {  	v24 =	vld [tilespmem:s25+$0x380]  }
0x98: {  	v25 =	vld [tilespmem:s25+$0x300]  }
0x99: {  	v26 =	vld [tilespmem:s25+$0x280]  }
0x9a: {  	v27 =	vld [tilespmem:s25+$0x200]  }
0x9b: {  	v28 =	vld [tilespmem:s25+$0x180]  }
0x9c: {  	v29 =	vld [tilespmem:s25+$0x100]  }
0x9d: {  	s26 =	sshrl.u32 s4, $0x2;
	s3 =	sadd.s32 $0x2380, s4;
	v30 =	vld [tilespmem:s25+$0x80]  }
0x9e: {  	s14 =	sadd.s32 $0x4100, s26;
	s18 =	sor.u32 s5, s3;
	v34 =	vld [tilespmem:s25+$0x0]  }
0x9f: {  	s12 =	sor.u32 s5, s14;
	v18 =	vld [tilespmem:s18+$0x0]  }
0xa0: {  	s19 =	sadd.s32 $0x2280, s4;
	v31 =	vld [tilespmem:s12+$0x80]  }
0xa1: {  	v14 =	vsel vm2, $0x3F800000, v2;
	s10 =	sor.u32 s5, s19;
	v32 =	vld [tilespmem:s12+$0x0]  }
0xa2: {  	v33 =	vsub.f32 $1.000000000e+00, v14;
	v39 =	vld [tilespmem:s10+$0x0];
	_ =	sdelay $0x1  }
0xa3: {  	v17 =	vmax.f32 v17, v13;
	v13 =	vmul.f32 $-3.402823470e+38, v33;
	v41 =	vmax.f32 v25, v24  }
0xa4: {  	v42 =	vmax.f32 v27, v26;
	v43 =	vmax.f32 v29, v28;
	v45 =	vmax.f32 v34, v30  }
0xa5: {  	s30 =	sshll.u32 s11, $0xB;
	v22 =	vmax.f32 v23, v22;
	v18 =	vmax.f32 v19, v18;
	v44 =	vmax.f32 v32, v31  }
0xa6: {  	[dreg:$0x1c] =	wrdreg s11;
	s11 =	sshll.u32 s11, $0x8;
	s10 =	sand.u32 $0x6000, s30;
	v19 =	vmax.f32 v40, v39;
	v20 =	vmax.f32 v42, v41;
	v46 =	vmul.f32 v14, v44  }
0xa7: {  	s15 =	sand.u32 $0x300, s11;
	s10 =	sor.u32 $0x9200, s10;
	v21 =	vmax.f32 v45, v43;
	v19 =	vmax.f32 v22, v19;
	v17 =	vmax.f32 v18, v17  }
0xa8: {  	[dreg:$0x1e] =	wrdreg s10;
	s10 =	sadd.s32 s15, s10;
	v18 =	vmax.f32 v21, v20;
	v17 =	vmax.f32 v19, v17;
	v19 =	vadd.f32 v46, v13  }
0xa9: {  	vm2 =	vne.s32 v15, v16;
	[dreg:$0x4] =	wrdreg s10;
	v16 =	vmax.f32 v18, v17  }
0xaa: {  	v15 =	vsel vm2, $0x3F800000, v2;
	s10 =	rddreg [dreg:$0x4];
	v16 =	vmax.f32 v16, v19  }
0xab: {  	s8 =	sadd.s32 s4, s10;
	v16 =	vmul.f32 v15, v16  }
0xac: {  	s4 =	sor.u32 $0x10, s5;
	s10 =	sadd.s32 s5, s8  }
0xad: {  	s7 =	sor.u32 s4, s6;
	[tilespmem:s10+$0x0] =	vst v16  }
0xae: {  	s6 =	sor.u32 s4, s2;
	v16 =	vld [tilespmem:s7+$0x0]  }
0xaf: {  	s5 =	sor.u32 s4, s3;
	v17 =	vld [tilespmem:s6+$0x0]  }
0xb0: {  	s12 =	sor.u32 s4, s13;
	v18 =	vld [tilespmem:s5+$0x0]  }
0xb1: {  	s3 =	sor.u32 s4, s17;
	v19 =	vld [tilespmem:s12+$0x380]  }
0xb2: {  	v47 =	vld [tilespmem:s3+$0x0]  }
0xb3: {  	s13 =	sor.u32 s4, s22;
	v48 =	vld [tilespmem:s12+$0x300]  }
0xb4: {  	v49 =	vld [tilespmem:s13+$0x0]  }
0xb5: {  	v50 =	vld [tilespmem:s12+$0x280]  }
0xb6: {  	s2 =	sor.u32 s4, s19;
	v51 =	vld [tilespmem:s12+$0x200]  }
0xb7: {  	v52 =	vld [tilespmem:s2+$0x0]  }
0xb8: {  	s15 =	sor.u32 s4, s14;
	v53 =	vld [tilespmem:s12+$0x0]  }
0xb9: {  	v54 =	vld [tilespmem:s15+$0x0]  }
0xba: {  	v55 =	vld [tilespmem:s12+$0x180]  }
0xbb: {  	s1 =	sor.u32 s4, s20;
	v56 =	vld [tilespmem:s12+$0x100]  }
0xbc: {  	v57 =	vld [tilespmem:s1+$0x0]  }
0xbd: {  	s23 =	simm.s32 $0x100;
	s24 =	simm.s32 $0x20;
	s0 =	sor.u32 s4, s21;
	v58 =	vld [tilespmem:s15+$0x80]  }
0xbe: {  	s16 =	rddreg [dreg:$0x4];
	s20 =	simm.s32 $0x2;
	s17 =	sand.u32 $0x7FFFFC00, s23;
	v59 =	vld [tilespmem:s0+$0x0]  }
0xbf: {  	s19 =	sand.u32 $0x60, s24;
	s9 =	sadd.s32 s4, s8;
	s31 =	sor.u32 $0x100, s17;
	v60 =	vld [tilespmem:s12+$0x80]  }
0xc0: {  	s25 =	sshrl.u32 s17, $0x2;
	s26 =	sadd.s32 $0x2280, s17;
	s30 =	sadd.s32 $0x2180, s17  }
0xc1: {  	s22 =	sadd.s32 $0x2300, s17;
	s21 =	sadd.s32 $0x2100, s17;
	s14 =	sadd.s32 s17, s16;
	v16 =	vmax.f32 v17, v16;
	v17 =	vmax.f32 v47, v18  }
0xc2: {  	s29 =	sor.u32 s19, s31;
	s11 =	sadd.s32 $0x4100, s25;
	[dreg:$0xb] =	wrdreg s26;
	v18 =	vmax.f32 v51, v50;
	v19 =	vmax.f32 v48, v19;
	v61 =	vmax.f32 v56, v55  }
0xc3: {  	s18 =	smov.u32 s30;
	s28 =	sor.u32 s19, s21;
	s16 =	sadd.s32 s19, s14;
	v62 =	vmax.f32 v57, v52;
	v63 =	vmax.f32 v54, v58;
	v22 =	vmax.f32 v49, v59  }
0xc4: {  	s12 =	sadd.s32 $0x2380, s17;
	s0 =	sor.u32 s19, s11;
	s5 =	sor.u32 s19, s26;
	v18 =	vmax.f32 v18, v19;
	v19 =	vmax.f32 v53, v60;
	v21 =	vmax.f32 v22, v62  }
0xc5: {  	s6 =	sor.u32 s19, s22;
	s1 =	sor.u32 s19, s30;
	s2 =	sadd.s32 $0x2400, s17;
	v16 =	vmax.f32 v17, v16;
	v17 =	vmax.f32 v19, v61;
	v19 =	vmul.f32 v14, v63  }
0xc6: {  	s13 =	sadd.s32 $0x2480, s17;
	s15 =	sadd.s32 $0x2200, s17;
	s26 =	sor.u32 s19, s12;
	v16 =	vmax.f32 v21, v16;
	v17 =	vmax.f32 v17, v18  }
0xc7: {  	s25 =	sor.u32 s19, s2;
	s7 =	sor.u32 s19, s13;
	s3 =	sor.u32 s19, s15;
	v16 =	vmax.f32 v17, v16;
	v17 =	vadd.f32 v19, v13  }
.LBB2_3:
0xc8: {  	_ = 	snop  }
0xc9: {  	v16 =	vmax.f32 v16, v17  }
0xca: {  	v16 =	vmul.f32 v15, v16;
	_ =	sdelay $0x1  }
0xcb: {  	[tilespmem:s9+$0x0] =	vst v16  }
0xcc: {  	v16 =	vld [tilespmem:s7+$0x0]  }
0xcd: {  	v17 =	vld [tilespmem:s25+$0x0]  }
0xce: {  	v18 =	vld [tilespmem:s26+$0x0]  }
0xcf: {  	v19 =	vld [tilespmem:s6+$0x0]  }
0xd0: {  	v20 =	vld [tilespmem:s5+$0x0]  }
0xd1: {  	v21 =	vld [tilespmem:s3+$0x0]  }
0xd2: {  	v22 =	vld [tilespmem:s1+$0x0]  }
0xd3: {  	v23 =	vld [tilespmem:s29+$0x380]  }
0xd4: {  	v24 =	vld [tilespmem:s29+$0x280]  }
0xd5: {  	v44 =	vld [tilespmem:s29+$0x200]  }
0xd6: {  	v25 =	vld [tilespmem:s29+$0x180]  }
0xd7: {  	v26 =	vld [tilespmem:s29+$0x100]  }
0xd8: {  	v27 =	vld [tilespmem:s29+$0x80]  }
0xd9: {  	v45 =	vld [tilespmem:s0+$0x80]  }
0xda: {  	v46 =	vld [tilespmem:s0+$0x0]  }
0xdb: {  	v28 =	vld [tilespmem:s29+$0x0]  }
0xdc: {  	v18 =	vmax.f32 v19, v18;
	v19 =	vld [tilespmem:s29+$0x300]  }
0xdd: {  	v16 =	vmax.f32 v17, v16;
	v17 =	vld [tilespmem:s28+$0x0];
	_ =	sdelay $0x2  }
0xde: {  	v20 =	vmax.f32 v21, v20;
	v21 =	vmax.f32 v44, v24;
	v47 =	vmax.f32 v26, v25  }
0xdf: {  	v48 =	vmax.f32 v28, v27;
	v19 =	vmax.f32 v19, v23;
	v23 =	vmax.f32 v46, v45  }
0xe0: {  	v16 =	vmax.f32 v18, v16;
	v17 =	vmax.f32 v17, v22;
	v49 =	vmul.f32 v14, v23  }
0xe1: {  	v19 =	vmax.f32 v21, v19;
	v21 =	vmax.f32 v48, v47;
	v17 =	vmax.f32 v17, v20  }
0xe2: {  	[dreg:$0xe] =	wrdreg s11;
	s20 =	sadd.s32 $0x2, s20;
	v18 =	vmax.f32 v21, v19;
	v16 =	vmax.f32 v17, v16;
	v17 =	vadd.f32 v49, v13  }
0xe3: {  	s23 =	sadd.s32 $0x100, s23;
	s24 =	sadd.s32 $0x20, s24;
	s17 =	rddreg [dreg:$0x4];
	v16 =	vmax.f32 v18, v16  }
0xe4: {  	p0 =	slt.u32 s20, $0x3E;
	s3 =	sor.u32 $0x10, s19;
	s19 =	sand.u32 $0x60, s24;
	v16 =	vmax.f32 v16, v17  }
0xe5: {  	s26 =	smov.u32 s14;
	s1 =	smov.u32 s24;
	s24 =	smov.u32 s20;
	v16 =	vmul.f32 v15, v16  }
0xe6: {  	s8 =	sor.u32 s3, s31;
	s9 =	sor.u32 s3, s12;
	s7 =	sor.u32 s3, s2  }
0xe7: {  	s12 =	sand.u32 $0x7FFFFC00, s23;
	s4 =	sor.u32 s3, s13;
	s22 =	sor.u32 s3, s22;
	[tilespmem:s16+$0x0] =	vst v16  }
0xe8: {  	s31 =	sor.u32 $0x100, s12;
	s5 =	sadd.s32 $0x2380, s12;
	s10 =	sshrl.u32 s12, $0x2;
	v16 =	vld [tilespmem:s4+$0x0]  }
0xe9: {  	s11 =	sadd.s32 $0x2280, s12;
	s14 =	sadd.s32 $0x2180, s12;
	s30 =	sadd.s32 $0x2100, s12;
	v17 =	vld [tilespmem:s7+$0x0]  }
0xea: {  	s2 =	sadd.s32 $0x2400, s12;
	s20 =	sadd.s32 $0x2200, s12;
	s13 =	sor.u32 s19, s5;
	v18 =	vld [tilespmem:s9+$0x0]  }
0xeb: {  	[dreg:$0xd] =	wrdreg s13;
	s13 =	sadd.s32 $0x2480, s12;
	s28 =	smov.u32 s15;
	v19 =	vld [tilespmem:s8+$0x380]  }
0xec: {  	s15 =	sadd.s32 $0x2300, s12;
	s12 =	sadd.s32 s12, s17;
	s17 =	sor.u32 s19, s20;
	v50 =	vld [tilespmem:s22+$0x0]  }
0xed: {  	s21 =	sor.u32 s3, s21;
	[dreg:$0x11] =	wrdreg s17;
	v51 =	vld [tilespmem:s8+$0x300]  }
0xee: {  	s17 =	sor.u32 s3, s18;
	s18 =	rddreg [dreg:$0xb];
	v52 =	vld [tilespmem:s21+$0x0]  }
0xef: {  	[dreg:$0x12] =	wrdreg s17;
	s17 =	sor.u32 s3, s28;
	s28 =	sor.u32 s3, s18;
	v53 =	vld [tilespmem:s8+$0x200]  }
0xf0: {  	v54 =	vld [tilespmem:s28+$0x0]  }
0xf1: {  	v55 =	vld [tilespmem:s8+$0x0]  }
0xf2: {  	v57 =	vld [tilespmem:s8+$0x180]  }
0xf3: {  	v58 =	vld [tilespmem:s8+$0x100]  }
0xf4: {  	s9 =	sadd.s32 s3, s26;
	s26 =	rddreg [dreg:$0xe];
	v59 =	vld [tilespmem:s17+$0x0]  }
0xf5: {  	s4 =	sor.u32 s19, s30;
	s21 =	smov.u32 s30;
	s30 =	rddreg [dreg:$0x12];
	v30 =	vld [tilespmem:s8+$0x80]  }
0xf6: {  	s3 =	sor.u32 s3, s26;
	v29 =	vld [tilespmem:s30+$0x0]  }
0xf7: {  	v56 =	vld [tilespmem:s3+$0x0]  }
0xf8: {  	[dreg:$0x8] =	wrdreg s23;
	s10 =	sadd.s32 $0x4100, s10;
	v16 =	vmax.f32 v17, v16;
	v17 =	vld [tilespmem:s8+$0x280]  }
0xf9: {  	s23 =	sor.u32 s19, s11;
	s25 =	sor.u32 s19, s2;
	s0 =	sor.u32 s19, s10;
	v60 =	vld [tilespmem:s3+$0x80]  }
0xfa: {  	s29 =	sor.u32 s19, s31;
	[dreg:$0xc] =	wrdreg s0;
	s0 =	sor.u32 s19, s14  }
0xfb: {  	s6 =	sor.u32 s19, s15;
	s18 =	smov.u32 s14;
	s14 =	smov.u32 s12;
	v18 =	vmax.f32 v50, v18  }
0xfc: {  	s16 =	sadd.s32 s19, s12;
	s12 =	smov.u32 s5;
	s5 =	smov.u32 s23;
	v19 =	vmax.f32 v51, v19;
	v61 =	vmax.f32 v58, v57;
	v23 =	vmax.f32 v59, v54  }
.Ltmp0:
0xfd: {  	s23 =	rddreg [dreg:$0x8];
	s22 =	smov.u32 s11;
	v22 =	vmax.f32 v52, v29;
	v16 =	vmax.f32 v18, v16;
	v17 =	vmax.f32 v53, v17;
	(pc) =	sbr.rel @p0 .LBB2_3-.Ltmp0, $4  }
0xfe: {  	s7 =	sor.u32 s19, s13;
	[dreg:$0xb] =	wrdreg s22;
	s22 =	smov.u32 s15;
	v62 =	vmax.f32 v56, v60;
	v17 =	vmax.f32 v17, v19;
	v19 =	vmax.f32 v55, v30  }
0xff: {  	s15 =	smov.u32 s20;
	s20 =	smov.u32 s24;
	s26 =	rddreg [dreg:$0xd];
	v63 =	vmax.f32 v22, v23;
	v18 =	vmax.f32 v19, v61;
	v19 =	vmul.f32 v14, v62  }
0x100: {  	s24 =	smov.u32 s1;
	s1 =	smov.u32 s0;
	s0 =	rddreg [dreg:$0xc];
	v16 =	vmax.f32 v63, v16;
	v17 =	vmax.f32 v18, v17  }
0x101: {  	s11 =	smov.u32 s10;
	s28 =	smov.u32 s4;
	s3 =	rddreg [dreg:$0x11];
	v16 =	vmax.f32 v17, v16;
	v17 =	vadd.f32 v19, v13  }
0x102: {  	_ = 	snop  }
0x103: {  	v16 =	vmax.f32 v16, v17  }
0x104: {  	v16 =	vmul.f32 v15, v16;
	_ =	sdelay $0x1  }
0x105: {  	[tilespmem:s9+$0x0] =	vst v16  }
0x106: {  	v16 =	vld [tilespmem:s7+$0x0]  }
0x107: {  	v46 =	vld [tilespmem:s25+$0x0]  }
0x108: {  	v18 =	vld [tilespmem:s26+$0x0]  }
0x109: {  	v19 =	vld [tilespmem:s6+$0x0]  }
0x10a: {  	v20 =	vld [tilespmem:s5+$0x0]  }
0x10b: {  	v21 =	vld [tilespmem:s3+$0x0]  }
0x10c: {  	v22 =	vld [tilespmem:s1+$0x0]  }
0x10d: {  	v24 =	vld [tilespmem:s29+$0x380]  }
0x10e: {  	v25 =	vld [tilespmem:s29+$0x300]  }
0x10f: {  	v26 =	vld [tilespmem:s29+$0x280]  }
0x110: {  	v27 =	vld [tilespmem:s29+$0x200]  }
0x111: {  	v28 =	vld [tilespmem:s29+$0x180]  }
0x112: {  	v29 =	vld [tilespmem:s29+$0x100]  }
0x113: {  	v30 =	vld [tilespmem:s29+$0x80]  }
0x114: {  	v31 =	vld [tilespmem:s0+$0x80]  }
0x115: {  	v32 =	vld [tilespmem:s0+$0x0]  }
0x116: {  	v33 =	vld [tilespmem:s29+$0x0]  }
0x117: {  	v23 =	vld [tilespmem:s28+$0x0];
	_ =	sdelay $0x1  }
0x118: {  	v16 =	vmax.f32 v46, v16;
	v47 =	vmax.f32 v19, v18  }
0x119: {  	v48 =	vmax.f32 v21, v20;
	v49 =	vmax.f32 v25, v24;
	v50 =	vmax.f32 v27, v26  }
0x11a: {  	v51 =	vmax.f32 v29, v28;
	v52 =	vmax.f32 v32, v31;
	v53 =	vmax.f32 v33, v30  }
0x11b: {  	v22 =	vmax.f32 v23, v22;
	v19 =	vmax.f32 v50, v49;
	v21 =	vmul.f32 v14, v52  }
0x11c: {  	v20 =	vmax.f32 v53, v51;
	v18 =	vmax.f32 v22, v48;
	v16 =	vmax.f32 v47, v16  }
0x11d: {  	v54 =	vmax.f32 v20, v19;
	v16 =	vmax.f32 v18, v16;
	v55 =	vadd.f32 v21, v13  }
0x11e: {  	v16 =	vmax.f32 v54, v16  }
0x11f: {  	v16 =	vmax.f32 v16, v55  }
0x120: {  	v16 =	vmul.f32 v15, v16  }
0x121: {  	s10 =	sor.u32 $0x10, s19  }
0x122: {  	s17 =	sor.u32 s10, s13;
	[tilespmem:s16+$0x0] =	vst v16  }
0x123: {  	s2 =	sor.u32 s10, s2;
	v16 =	vld [tilespmem:s17+$0x0]  }
0x124: {  	s19 =	sor.u32 s10, s12;
	v56 =	vld [tilespmem:s2+$0x0]  }
0x125: {  	s20 =	sor.u32 s10, s31;
	v57 =	vld [tilespmem:s19+$0x0]  }
0x126: {  	s22 =	sor.u32 s10, s22;
	v58 =	vld [tilespmem:s20+$0x380]  }
0x127: {  	v59 =	vld [tilespmem:s22+$0x0]  }
0x128: {  	s23 =	sor.u32 s10, s21;
	v60 =	vld [tilespmem:s20+$0x300]  }
0x129: {  	v61 =	vld [tilespmem:s23+$0x0]  }
0x12a: {  	s24 =	rddreg [dreg:$0xb];
	v62 =	vld [tilespmem:s20+$0x280]  }
0x12b: {  	s1 =	sor.u32 s10, s24;
	v63 =	vld [tilespmem:s20+$0x200]  }
0x12c: {  	v36 =	vld [tilespmem:s1+$0x0]  }
0x12d: {  	s25 =	sor.u32 s10, s11;
	v37 =	vld [tilespmem:s20+$0x0]  }
0x12e: {  	v38 =	vld [tilespmem:s25+$0x0]  }
0x12f: {  	v39 =	vld [tilespmem:s20+$0x180]  }
0x130: {  	s26 =	sor.u32 s10, s15;
	v40 =	vld [tilespmem:s20+$0x100]  }
0x131: {  	v41 =	vld [tilespmem:s26+$0x0]  }
0x132: {  	s31 =	sor.u32 s10, s18;
	v42 =	vld [tilespmem:s25+$0x80]  }
0x133: {  	v43 =	vld [tilespmem:s31+$0x0]  }
0x134: {  	v44 =	vld [tilespmem:s20+$0x80];
	_ =	sdelay $0x1  }
0x135: {  	v16 =	vmax.f32 v56, v16;
	v45 =	vmax.f32 v59, v57  }
0x136: {  	v46 =	vmax.f32 v63, v62;
	v19 =	vmax.f32 v60, v58;
	v47 =	vmax.f32 v40, v39  }
0x137: {  	v48 =	vmax.f32 v41, v36;
	v49 =	vmax.f32 v38, v42;
	v22 =	vmax.f32 v61, v43  }
0x138: {  	v50 =	vmax.f32 v37, v44;
	v18 =	vmax.f32 v46, v19;
	v14 =	vmul.f32 v14, v49  }
0x139: {  	v21 =	vmax.f32 v22, v48;
	v16 =	vmax.f32 v45, v16;
	v51 =	vmax.f32 v50, v47  }
0x13a: {  	v16 =	vmax.f32 v21, v16;
	v17 =	vmax.f32 v51, v18;
	v13 =	vadd.f32 v14, v13  }
0x13b: {  	v14 =	vmax.f32 v17, v16  }
0x13c: {  	v13 =	vmax.f32 v14, v13  }
0x13d: {  	v13 =	vmul.f32 v15, v13  }
0x13e: {  	s0 =	sadd.s32 s10, s14  }
0x13f: {  	s3 =	simm.s32 $0x4;
	[tilespmem:s0+$0x0] =	vst v13  }
0x140: {  	_ =	swait.ge [sflag:s3], $0x4000  }
0x141: {  	[sflag:s3] =	ssyncset.done $0x0  }
0x142: {  	s4 =	simm.s32 $0x0;
	s5 =	simm.s32 $0x5;
	[sflag:s3] =	ssyncadd.s32 $0xFFFFC000  }
0x143: {  	s6 =	sand.u32 $0x7FFFFC00, s4;
	_ =	swait.ge [sflag:s5], $0x800  }
0x144: {  	s4 =	sand.u32 $0x60, s4;
	s8 =	sadd.s32 $0x6C80, s6;
	[sflag:s5] =	ssyncset.done $0x0  }
0x145: {  	s0 =	sor.u32 s4, s8;
	s3 =	sadd.s32 $0x6B80, s6;
	[sflag:s5] =	ssyncadd.s32 $0xFFFFF800  }
0x146: {  	s13 =	sadd.s32 $0x6A80, s6;
	s12 =	sor.u32 s4, s3;
	v14 =	vld [tilespmem:s0+$0x0]  }
0x147: {  	s15 =	sadd.s32 $0x6A00, s6;
	s10 =	sor.u32 s4, s13;
	v52 =	vld [tilespmem:s12+$0x0]  }
0x148: {  	s16 =	sadd.s32 $0x6980, s6;
	s17 =	sor.u32 s4, s15;
	v54 =	vld [tilespmem:s10+$0x0]  }
0x149: {  	s18 =	sadd.s32 $0x6900, s6;
	s19 =	sor.u32 s4, s16;
	v55 =	vld [tilespmem:s17+$0x0]  }
0x14a: {  	s21 =	sor.u32 s4, s18;
	s20 =	sadd.s32 $0x4900, s6;
	v56 =	vld [tilespmem:s19+$0x0]  }
0x14b: {  	s22 =	sor.u32 s4, s20;
	v57 =	vld [tilespmem:s21+$0x0]  }
0x14c: {  	v58 =	vld [tilespmem:s22+$0x380]  }
0x14d: {  	v59 =	vld [tilespmem:s22+$0x300]  }
0x14e: {  	v60 =	vld [tilespmem:s22+$0x280]  }
0x14f: {  	v61 =	vld [tilespmem:s22+$0x200]  }
0x150: {  	s23 =	sshrl.u32 s6, $0x2;
	v62 =	vld [tilespmem:s22+$0x180]  }
0x151: {  	s24 =	sadd.s32 $0x8900, s23;
	v63 =	vld [tilespmem:s22+$0x100]  }
0x152: {  	s9 =	sor.u32 s4, s24;
	v33 =	vld [tilespmem:s22+$0x80]  }
0x153: {  	v34 =	vld [tilespmem:s9+$0x80]  }
0x154: {  	s5 =	sadd.s32 $0x6C00, s6;
	v35 =	vld [tilespmem:s9+$0x0]  }
0x155: {  	vm2 =	vgt.s32 v12, $0x0;
	s2 =	sadd.s32 $0x6B00, s6;
	s31 =	sor.u32 s4, s5;
	v36 =	vld [tilespmem:s22+$0x0]  }
0x156: {  	s14 =	sor.u32 s4, s2;
	v13 =	vsel vm2, $0x3F800000, v2;
	v15 =	vld [tilespmem:s31+$0x0]  }
0x157: {  	v12 =	vsub.f32 $1.000000000e+00, v13;
	v53 =	vld [tilespmem:s14+$0x0];
	_ =	sdelay $0x1  }
0x158: {  	v12 =	vmul.f32 $-3.402823470e+38, v12;
	v37 =	vmax.f32 v55, v54;
	v38 =	vmax.f32 v59, v58  }
0x159: {  	v39 =	vmax.f32 v61, v60;
	v40 =	vmax.f32 v63, v62;
	v41 =	vmax.f32 v35, v34  }
0x15a: {  	s25 =	rddreg [dreg:$0x1d];
	v42 =	vmax.f32 v36, v33;
	v20 =	vmax.f32 v57, v56;
	v14 =	vmax.f32 v15, v14  }
0x15b: {  	s9 =	sshll.u32 s25, $0x7;
	v15 =	vmax.f32 v53, v52;
	v17 =	vmax.f32 v39, v38;
	v19 =	vmul.f32 v13, v41  }
0x15c: {  	s26 =	rddreg [dreg:$0x1e];
	s9 =	sand.u32 $0x380, s9;
	v18 =	vmax.f32 v42, v40;
	v16 =	vmax.f32 v20, v37;
	v14 =	vmax.f32 v15, v14  }
0x15d: {  	s9 =	sadd.s32 s9, s26;
	v15 =	vmax.f32 v18, v17;
	v14 =	vmax.f32 v16, v14;
	v43 =	vadd.f32 v19, v12  }
0x15e: {  	vm2 =	vne.s32 v10, v11;
	[dreg:$0x5] =	wrdreg s9;
	v11 =	vmax.f32 v15, v14  }
0x15f: {  	v10 =	vsel vm2, $0x3F800000, v2;
	s9 =	rddreg [dreg:$0x5];
	v11 =	vmax.f32 v11, v43  }
0x160: {  	s7 =	sadd.s32 s6, s9;
	v11 =	vmul.f32 v10, v11  }
0x161: {  	s9 =	sor.u32 $0x10, s4;
	s31 =	sadd.s32 s4, s7  }
0x162: {  	s4 =	sor.u32 s9, s8;
	[tilespmem:s31+$0x0] =	vst v11  }
0x163: {  	s6 =	sor.u32 s9, s5;
	v11 =	vld [tilespmem:s4+$0x0]  }
0x164: {  	s5 =	sor.u32 s9, s3;
	v14 =	vld [tilespmem:s6+$0x0]  }
0x165: {  	s8 =	sor.u32 s9, s20;
	v15 =	vld [tilespmem:s5+$0x0]  }
0x166: {  	s3 =	sor.u32 s9, s2;
	v44 =	vld [tilespmem:s8+$0x380]  }
0x167: {  	v45 =	vld [tilespmem:s3+$0x0]  }
0x168: {  	s10 =	sor.u32 s9, s18;
	v46 =	vld [tilespmem:s8+$0x300]  }
0x169: {  	v47 =	vld [tilespmem:s10+$0x0]  }
0x16a: {  	v48 =	vld [tilespmem:s8+$0x280]  }
0x16b: {  	s2 =	sor.u32 s9, s13;
	v49 =	vld [tilespmem:s8+$0x200]  }
0x16c: {  	v50 =	vld [tilespmem:s2+$0x0]  }
0x16d: {  	s11 =	sor.u32 s9, s24;
	v51 =	vld [tilespmem:s8+$0x0]  }
0x16e: {  	v52 =	vld [tilespmem:s11+$0x0]  }
0x16f: {  	v53 =	vld [tilespmem:s8+$0x180]  }
0x170: {  	s1 =	sor.u32 s9, s15;
	v54 =	vld [tilespmem:s8+$0x100]  }
0x171: {  	v55 =	vld [tilespmem:s1+$0x0]  }
0x172: {  	s21 =	simm.s32 $0x100;
	s22 =	simm.s32 $0x20;
	s0 =	sor.u32 s9, s16;
	v56 =	vld [tilespmem:s11+$0x80]  }
0x173: {  	s17 =	sand.u32 $0x60, s22;
	s12 =	rddreg [dreg:$0x5];
	s13 =	sand.u32 $0x7FFFFC00, s21;
	v57 =	vld [tilespmem:s0+$0x0]  }
0x174: {  	s15 =	simm.s32 $0x2;
	s25 =	sadd.s32 $0x4900, s13;
	s14 =	sadd.s32 $0x6B80, s13;
	v58 =	vld [tilespmem:s8+$0x80]  }
0x175: {  	s23 =	sshrl.u32 s13, $0x2;
	s24 =	sadd.s32 $0x6A80, s13;
	s20 =	sadd.s32 $0x6B00, s13  }
0x176: {  	s16 =	sadd.s32 $0x6C00, s13;
	s18 =	sadd.s32 $0x6C80, s13;
	s29 =	sadd.s32 $0x6A00, s13;
	v11 =	vmax.f32 v14, v11;
	v14 =	vmax.f32 v45, v15  }
0x177: {  	s26 =	sor.u32 s17, s25;
	[dreg:$0x7] =	wrdreg s24;
	s19 =	sor.u32 s17, s14;
	v15 =	vmax.f32 v49, v48;
	v16 =	vmax.f32 v46, v44;
	v59 =	vmax.f32 v54, v53  }
0x178: {  	s30 =	sor.u32 s17, s29;
	s31 =	sadd.s32 $0x6900, s13;
	s10 =	sadd.s32 $0x8900, s23;
	v60 =	vmax.f32 v55, v50;
	v61 =	vmax.f32 v52, v56;
	v19 =	vmax.f32 v47, v57  }
0x179: {  	s11 =	sadd.s32 $0x6980, s13;
	s5 =	sor.u32 s17, s24;
	s6 =	sor.u32 s17, s20;
	v62 =	vmax.f32 v51, v58;
	v15 =	vmax.f32 v15, v16;
	v18 =	vmax.f32 v19, v60  }
0x17a: {  	[dreg:$0x6] =	wrdreg s31;
	s23 =	sor.u32 s17, s31;
	s1 =	sor.u32 s17, s16;
	v11 =	vmax.f32 v14, v11;
	v14 =	vmax.f32 v62, v59;
	v63 =	vmul.f32 v13, v61  }
0x17b: {  	s24 =	sadd.s32 s13, s12;
	s4 =	sor.u32 s17, s18;
	s8 =	sadd.s32 s9, s7;
	v11 =	vmax.f32 v18, v11;
	v14 =	vmax.f32 v14, v15  }
0x17c: {  	s0 =	sor.u32 s17, s10;
	s28 =	sor.u32 s17, s11;
	s2 =	sadd.s32 s17, s24;
	v11 =	vmax.f32 v14, v11;
	v14 =	vadd.f32 v63, v12  }
.LBB2_5:
0x17d: {  	_ = 	snop  }
0x17e: {  	v11 =	vmax.f32 v11, v14  }
0x17f: {  	v11 =	vmul.f32 v10, v11;
	_ =	sdelay $0x1  }
0x180: {  	[tilespmem:s8+$0x0] =	vst v11  }
0x181: {  	v11 =	vld [tilespmem:s4+$0x0]  }
0x182: {  	v14 =	vld [tilespmem:s1+$0x0]  }
0x183: {  	v15 =	vld [tilespmem:s19+$0x0]  }
0x184: {  	v16 =	vld [tilespmem:s6+$0x0]  }
0x185: {  	v17 =	vld [tilespmem:s5+$0x0]  }
0x186: {  	v18 =	vld [tilespmem:s30+$0x0]  }
0x187: {  	v19 =	vld [tilespmem:s28+$0x0]  }
0x188: {  	v20 =	vld [tilespmem:s26+$0x380]  }
0x189: {  	v40 =	vld [tilespmem:s26+$0x300]  }
0x18a: {  	v21 =	vld [tilespmem:s26+$0x280]  }
0x18b: {  	v41 =	vld [tilespmem:s26+$0x200]  }
0x18c: {  	v22 =	vld [tilespmem:s26+$0x180]  }
0x18d: {  	v23 =	vld [tilespmem:s26+$0x100]  }
0x18e: {  	v24 =	vld [tilespmem:s26+$0x80]  }
0x18f: {  	v42 =	vld [tilespmem:s0+$0x80]  }
0x190: {  	v43 =	vld [tilespmem:s0+$0x0]  }
0x191: {  	v25 =	vld [tilespmem:s26+$0x0]  }
0x192: {  	v11 =	vmax.f32 v14, v11;
	v14 =	vld [tilespmem:s23+$0x0];
	_ =	sdelay $0x1  }
0x193: {  	v15 =	vmax.f32 v16, v15  }
0x194: {  	v17 =	vmax.f32 v18, v17;
	v16 =	vmax.f32 v40, v20;
	v18 =	vmax.f32 v41, v21  }
0x195: {  	v44 =	vmax.f32 v23, v22;
	v20 =	vmax.f32 v43, v42;
	v45 =	vmax.f32 v25, v24  }
0x196: {  	v16 =	vmax.f32 v18, v16;
	v46 =	vmul.f32 v13, v20;
	v14 =	vmax.f32 v14, v19  }
0x197: {  	v18 =	vmax.f32 v45, v44;
	v11 =	vmax.f32 v15, v11;
	v14 =	vmax.f32 v14, v17  }
0x198: {  	v15 =	vmax.f32 v18, v16;
	v11 =	vmax.f32 v14, v11;
	v14 =	vadd.f32 v46, v12  }
0x199: {  	v11 =	vmax.f32 v15, v11  }
0x19a: {  	[dreg:$0xf] =	wrdreg s10;
	s15 =	sadd.s32 $0x2, s15;
	v11 =	vmax.f32 v11, v14  }
0x19b: {  	s21 =	sadd.s32 $0x100, s21;
	s22 =	sadd.s32 $0x20, s22;
	s9 =	sor.u32 $0x10, s17;
	v11 =	vmul.f32 v10, v11  }
0x19c: {  	s13 =	smov.u32 s29;
	[dreg:$0x9] =	wrdreg s15;
	p0 =	slt.u32 s15, $0x3E  }
0x19d: {  	s7 =	sor.u32 s9, s25;
	s15 =	smov.u32 s11;
	s23 =	sor.u32 s9, s18;
	[tilespmem:s2+$0x0] =	vst v11  }
0x19e: {  	s11 =	sor.u32 s9, s14;
	s19 =	sor.u32 s9, s16;
	s30 =	sand.u32 $0x7FFFFC00, s21;
	v11 =	vld [tilespmem:s23+$0x0]  }
0x19f: {  	s17 =	sand.u32 $0x60, s22;
	s8 =	rddreg [dreg:$0x5];
	s25 =	sadd.s32 $0x4900, s30;
	v14 =	vld [tilespmem:s19+$0x0]  }
0x1a0: {  	s29 =	sadd.s32 $0x6B80, s30;
	s5 =	sshrl.u32 s30, $0x2;
	s31 =	sadd.s32 $0x6A80, s30;
	v15 =	vld [tilespmem:s11+$0x0]  }
0x1a1: {  	s10 =	sadd.s32 $0x6980, s30;
	s12 =	sadd.s32 $0x6B00, s30;
	s14 =	sadd.s32 $0x6900, s30;
	v47 =	vld [tilespmem:s7+$0x380]  }
0x1a2: {  	s0 =	sadd.s32 $0x6C00, s30;
	s3 =	sadd.s32 $0x8900, s5;
	s6 =	sor.u32 s17, s31;
	v49 =	vld [tilespmem:s7+$0x300]  }
0x1a3: {  	s5 =	smov.u32 s22;
	s22 =	sor.u32 s17, s29;
	[dreg:$0x10] =	wrdreg s6;
	v51 =	vld [tilespmem:s7+$0x200]  }
0x1a4: {  	s6 =	sor.u32 s17, s12;
	s18 =	sadd.s32 $0x6A00, s30;
	s2 =	sadd.s32 $0x6C80, s30;
	v53 =	vld [tilespmem:s7+$0x0]  }
0x1a5: {  	s23 =	sor.u32 s17, s14;
	s4 =	sor.u32 s17, s2;
	s19 =	sadd.s32 s30, s8;
	v55 =	vld [tilespmem:s7+$0x180]  }
0x1a6: {  	s30 =	sor.u32 s17, s18;
	s11 =	rddreg [dreg:$0x6];
	s8 =	sor.u32 s9, s20;
	v56 =	vld [tilespmem:s7+$0x100]  }
0x1a7: {  	s20 =	sor.u32 s9, s15;
	s15 =	sor.u32 s9, s13;
	s13 =	rddreg [dreg:$0x7];
	v27 =	vld [tilespmem:s7+$0x80]  }
0x1a8: {  	s11 =	sor.u32 s9, s11;
	s16 =	sor.u32 s9, s13;
	v48 =	vld [tilespmem:s8+$0x0];
	s13 =	sadd.s32 s17, s19  }
0x1a9: {  	s8 =	sadd.s32 s9, s24;
	s24 =	smov.u32 s31;
	s31 =	smov.u32 s12;
	v57 =	vld [tilespmem:s15+$0x0]  }
0x1aa: {  	s12 =	smov.u32 s14;
	s14 =	smov.u32 s29;
	s29 =	smov.u32 s18;
	v26 =	vld [tilespmem:s20+$0x0]  }
0x1ab: {  	s18 =	smov.u32 s2;
	v50 =	vld [tilespmem:s11+$0x0];
	s2 =	smov.u32 s13;
	s13 =	rddreg [dreg:$0xf]  }
0x1ac: {  	v52 =	vld [tilespmem:s16+$0x0];
	s9 =	sor.u32 s9, s13  }
0x1ad: {  	v54 =	vld [tilespmem:s9+$0x0]  }
0x1ae: {  	v58 =	vld [tilespmem:s9+$0x80]  }
0x1af: {  	v11 =	vmax.f32 v14, v11;
	v14 =	vld [tilespmem:s7+$0x280];
	_ =	sdelay $0x1  }
0x1b0: {  	[dreg:$0xa] =	wrdreg s21;
	v16 =	vmax.f32 v49, v47  }
0x1b1: {  	s26 =	sor.u32 s17, s25;
	s28 =	sor.u32 s17, s10;
	s15 =	rddreg [dreg:$0x9];
	v59 =	vmax.f32 v56, v55;
	v61 =	vmax.f32 v53, v27;
	v15 =	vmax.f32 v48, v15  }
.Ltmp1:
0x1b2: {  	s1 =	sor.u32 s17, s0;
	[dreg:$0x7] =	wrdreg s24;
	v20 =	vmax.f32 v57, v52;
	v19 =	vmax.f32 v50, v26;
	v11 =	vmax.f32 v15, v11;
	(pc) =	sbr.rel @p0 .LBB2_5-.Ltmp1, $4  }
0x1b3: {  	s21 =	sor.u32 s17, s3;
	s11 =	smov.u32 s10;
	[dreg:$0x6] =	wrdreg s12;
	v15 =	vmax.f32 v61, v59;
	v60 =	vmax.f32 v54, v58;
	v14 =	vmax.f32 v51, v14  }
0x1b4: {  	s24 =	smov.u32 s19;
	s19 =	smov.u32 s22;
	s22 =	smov.u32 s5;
	v62 =	vmax.f32 v19, v20;
	v63 =	vmul.f32 v13, v60;
	v14 =	vmax.f32 v14, v16  }
0x1b5: {  	s16 =	smov.u32 s0;
	s0 =	smov.u32 s21;
	s21 =	rddreg [dreg:$0xa];
	v11 =	vmax.f32 v62, v11;
	v14 =	vmax.f32 v15, v14  }
0x1b6: {  	s5 =	rddreg [dreg:$0x10];
	s10 =	smov.u32 s3;
	s20 =	smov.u32 s31;
	v11 =	vmax.f32 v14, v11;
	v14 =	vadd.f32 v63, v12  }
0x1b7: {  	_ = 	snop  }
0x1b8: {  	v11 =	vmax.f32 v11, v14  }
0x1b9: {  	v11 =	vmul.f32 v10, v11;
	_ =	sdelay $0x1  }
0x1ba: {  	[tilespmem:s8+$0x0] =	vst v11  }
0x1bb: {  	v11 =	vld [tilespmem:s4+$0x0]  }
0x1bc: {  	v61 =	vld [tilespmem:s1+$0x0]  }
0x1bd: {  	v15 =	vld [tilespmem:s19+$0x0]  }
0x1be: {  	v16 =	vld [tilespmem:s6+$0x0]  }
0x1bf: {  	v17 =	vld [tilespmem:s5+$0x0]  }
0x1c0: {  	v18 =	vld [tilespmem:s30+$0x0]  }
0x1c1: {  	v19 =	vld [tilespmem:s28+$0x0]  }
0x1c2: {  	v21 =	vld [tilespmem:s26+$0x380]  }
0x1c3: {  	v22 =	vld [tilespmem:s26+$0x300]  }
0x1c4: {  	v23 =	vld [tilespmem:s26+$0x280]  }
0x1c5: {  	v24 =	vld [tilespmem:s26+$0x200]  }
0x1c6: {  	v25 =	vld [tilespmem:s26+$0x180]  }
0x1c7: {  	v26 =	vld [tilespmem:s26+$0x100]  }
0x1c8: {  	v27 =	vld [tilespmem:s26+$0x80]  }
0x1c9: {  	v28 =	vld [tilespmem:s0+$0x80]  }
0x1ca: {  	v29 =	vld [tilespmem:s0+$0x0]  }
0x1cb: {  	v30 =	vld [tilespmem:s26+$0x0]  }
0x1cc: {  	v20 =	vld [tilespmem:s23+$0x0];
	_ =	sdelay $0x1  }
0x1cd: {  	v11 =	vmax.f32 v61, v11;
	v62 =	vmax.f32 v16, v15  }
0x1ce: {  	v63 =	vmax.f32 v18, v17;
	v31 =	vmax.f32 v22, v21;
	v32 =	vmax.f32 v24, v23  }
0x1cf: {  	v33 =	vmax.f32 v26, v25;
	v34 =	vmax.f32 v29, v28;
	v35 =	vmax.f32 v30, v27  }
0x1d0: {  	v19 =	vmax.f32 v20, v19;
	v16 =	vmax.f32 v32, v31;
	v18 =	vmul.f32 v13, v34  }
0x1d1: {  	v17 =	vmax.f32 v35, v33;
	v15 =	vmax.f32 v19, v63;
	v11 =	vmax.f32 v62, v11  }
0x1d2: {  	v36 =	vmax.f32 v17, v16;
	v11 =	vmax.f32 v15, v11;
	v37 =	vadd.f32 v18, v12  }
0x1d3: {  	v11 =	vmax.f32 v36, v11  }
0x1d4: {  	v11 =	vmax.f32 v11, v37  }
0x1d5: {  	v11 =	vmul.f32 v10, v11  }
0x1d6: {  	s17 =	sor.u32 $0x10, s17  }
0x1d7: {  	s18 =	sor.u32 s17, s18;
	[tilespmem:s2+$0x0] =	vst v11  }
0x1d8: {  	s19 =	sor.u32 s17, s16;
	v11 =	vld [tilespmem:s18+$0x0]  }
0x1d9: {  	s21 =	sor.u32 s17, s14;
	v38 =	vld [tilespmem:s19+$0x0]  }
0x1da: {  	s22 =	sor.u32 s17, s25;
	v39 =	vld [tilespmem:s21+$0x0]  }
0x1db: {  	s23 =	sor.u32 s17, s20;
	v40 =	vld [tilespmem:s22+$0x380]  }
0x1dc: {  	s25 =	rddreg [dreg:$0x6];
	v41 =	vld [tilespmem:s23+$0x0]  }
0x1dd: {  	s1 =	sor.u32 s17, s25;
	v42 =	vld [tilespmem:s22+$0x300]  }
0x1de: {  	v43 =	vld [tilespmem:s1+$0x0]  }
0x1df: {  	v44 =	vld [tilespmem:s22+$0x280]  }
0x1e0: {  	v45 =	vld [tilespmem:s22+$0x200]  }
0x1e1: {  	s28 =	sor.u32 s17, s10;
	v47 =	vld [tilespmem:s22+$0x0]  }
0x1e2: {  	v48 =	vld [tilespmem:s28+$0x0]  }
0x1e3: {  	v49 =	vld [tilespmem:s22+$0x180]  }
0x1e4: {  	s3 =	sor.u32 s17, s29;
	v50 =	vld [tilespmem:s22+$0x100]  }
0x1e5: {  	v51 =	vld [tilespmem:s3+$0x0]  }
0x1e6: {  	s30 =	sor.u32 s17, s11;
	v52 =	vld [tilespmem:s28+$0x80]  }
0x1e7: {  	s26 =	rddreg [dreg:$0x7];
	v53 =	vld [tilespmem:s30+$0x0]  }
0x1e8: {  	s1 =	sor.u32 s17, s26;
	v54 =	vld [tilespmem:s22+$0x80]  }
0x1e9: {  	v46 =	vld [tilespmem:s1+$0x0];
	_ =	sdelay $0x1  }
0x1ea: {  	v11 =	vmax.f32 v38, v11;
	v55 =	vmax.f32 v41, v39  }
0x1eb: {  	v56 =	vmax.f32 v45, v44;
	v16 =	vmax.f32 v42, v40;
	v57 =	vmax.f32 v50, v49  }
0x1ec: {  	v59 =	vmax.f32 v48, v52;
	v19 =	vmax.f32 v43, v53;
	v60 =	vmax.f32 v47, v54  }
0x1ed: {  	s31 =	rddreg [dreg:$0x1c];
	v58 =	vmax.f32 v51, v46;
	v15 =	vmax.f32 v56, v16;
	v61 =	vmul.f32 v13, v59  }
0x1ee: {  	s11 =	sadd.s32 $0x1, s31;
	v11 =	vmax.f32 v55, v11;
	v62 =	vmax.f32 v60, v57;
	v18 =	vmax.f32 v19, v58  }
0x1ef: {  	p0 =	sne.s32 s11, $0x10;
	v14 =	vmax.f32 v62, v15;
	v11 =	vmax.f32 v18, v11;
	v63 =	vadd.f32 v61, v12  }
.Ltmp2:
0x1f0: {  	v11 =	vmax.f32 v14, v11;
	(pc) =	sbr.rel @p0 .LBB2_2-.Ltmp2, $4  }
0x1f1: {  	v11 =	vmax.f32 v11, v63  }
0x1f2: {  	v10 =	vmul.f32 v10, v11  }
0x1f3: {  	s0 =	sadd.s32 s17, s24  }
0x1f4: {  	[tilespmem:s0+$0x0] =	vst v10  }
0x1f5: {  	s8 =	simm.s32 $0x0;
	s0 =	rddreg [dreg:$0x19];
	s1 =	simm.s32 $0x9200  }
0x1f6: {  	[hbm4b:s0+s8] =	stream.linear.scatter [tilespmem:s1], [sflag:$0x1], $0x8000, $0x38;
	[tilespmem:$0x11200] =	vst v63  }
0x1f7: {  	s1 =	simm.s32 $0x1  }
0x1f8: {  	_ =	swait.ge [sflag:s1], $0x8000  }
0x1f9: {  	s2 =	rddreg [dreg:$0x1b]  }
0x1fa: {  	s31 =	rddreg [dreg:$0x1a];
	s2 =	sadd.s32 $0x1, s2  }
0x1fb: {  	p0 =	sne.s32 s2, s31  }
.Ltmp3:
0x1fc: {  	_ = 	snop;
	(pc) =	sbr.rel @p0 .LBB2_1-.Ltmp3, $3  }
0x1fd: {  	_ =	sdelay $0x1  }
0x1fe: {  	[sflag:s1] =	ssyncset.done $0x0  }
0x1ff: {  	[sflag:s1] =	ssyncadd.s32 $0xFFFF8000  }
0x200: {  	_ =	sfence.sel $0x180000  }
0x201: {  	[bflag:$0x0] =	sbarrier.arrive $0xFFFF  }
0x202: {  	_ =	strace $0x90000047  }
0x203: {  	s0 =	stileid.u32;
	[bflag:$0x2] =	sbarrier.arrive $0xFFFF  }
0x204: {  	p0 =	sne.s32 s0, $0x0;
	s0 =	rddreg [dreg:$0x3]  }
0x205: {  	s0 =	sadd.s32 @!p0 $0x100000, s0  }
0x206: {  	[sflag:s0] =	ssyncadd.tile.s32 @!p0 $0x1;
	_ =	shalt  }
.Lfunc_end2:
_tile_overlayer_lowered:
.L_overlay_start_2:
0x207: {  	(tag) =	ssettag $0x2  }
0x208: {  	s0 =	rddreg [dreg:$0x0];
	s2 =	stileid.u32  }
0x209: {  	s1 =	rddreg [dreg:$0x1];
	p0 =	sne.s32 s2, $0x0  }
0x20a: {  	s3 =	rddreg [dreg:$0x2];
	[bflag:$0x3] =	sbarrier.arrive $0xFFFF;
	s2 =	simm.s32 @!p0 $0x1C06  }
0x20b: {  	[timem:s3], [sflag:s2] =	dma.local @!p0 [hbm:s0], s1  }
0x20c: {  	s0 =	simm.s32 @!p0 $0x6  }
0x20d: {  	_ =	swait.ge @!p0 [sflag:s0], s1  }
0x20e: {  	s1 =	ssub.s32 @!p0 $0x0, s1;
	[sflag:s0] =	ssyncset.done @!p0 $0x0  }
0x20f: {  	[sflag:s0] =	ssyncadd.s32 @!p0 s1  }
0x210: {  	[bflag:$0x3] =	sbarrier.arrive $0xFFFF  }
0x211: {  	_ =	shalt  }

</sc_bundles>
